<compile_context>
chip_gen: v7x
topology: tpu7x:2x2x1
jax: 0.10.2.dev20260603
libtpu: 0.0.44.dev20260713+nightly
codegen_flags: <defaults>
</compile_context>

<pallas_src>
import functools

import jax
import jax.numpy as jnp
from jax import lax
from jax.experimental import pallas as pl
from jax.experimental.pallas import tpu as pltpu
from jax.experimental.pallas import tpu_sc as plsc

NC = 2
NS = 16
NW = NC * NS
K = 8


NBUF = 4


def _emb_body(ids_hbm, table_hbm, out_hbm, idx_v, rows_v,
              gsem0, gsem1, gsem2, gsem3):
    tpw = ids_hbm.shape[0] // NW
    cpw = tpw // K
    wid = lax.axis_index("s") * NC + lax.axis_index("c")
    chunk0 = wid * cpw
    pltpu.sync_copy(ids_hbm.at[pl.ds(wid * tpw, tpw)], idx_v)
    gsems = (gsem0, gsem1, gsem2, gsem3)

    def gather(g, b):
        pltpu.async_copy(table_hbm.at[idx_v.at[pl.ds(g * K, K)]], rows_v.at[b], gsems[b])

    def wait_gather(b):
        pltpu.make_async_copy(
            table_hbm.at[idx_v.at[pl.ds(0, K)]], rows_v.at[b], gsems[b]).wait()

    def scatter(g, b):
        pltpu.sync_copy(rows_v.at[b], out_hbm.at[pl.ds((chunk0 + g) * K, K)])

    for b in range(NBUF):
        gather(b, b)

    def step(h, _):
        for b in range(NBUF):
            j = h * NBUF + b
            wait_gather(b)
            scatter(j, b)
            gather(j + NBUF, b)
        return 0

    lax.fori_loop(0, (cpw - NBUF) // NBUF, step, 0)

    for j in range(cpw - NBUF, cpw):
        b = j % NBUF
        wait_gather(b)
        scatter(j, b)


def _make_emb(n_tokens, vocab, d_model):
    mesh = plsc.VectorSubcoreMesh(core_axis_name="c", subcore_axis_name="s")
    return functools.partial(
        pl.kernel,
        mesh=mesh,
        out_type=jax.ShapeDtypeStruct((n_tokens, d_model), jnp.float32),
        scratch_types=[
            pltpu.VMEM((n_tokens // NW,), jnp.int32),
            pltpu.VMEM((NBUF, K, d_model), jnp.float32),
        ] + [pltpu.SemaphoreType.DMA] * NBUF,
    )(_emb_body)


def kernel(input_ids, attention_mask, labels, weight):
    b, s = input_ids.shape
    vocab, d_model = weight.shape
    ids_flat = input_ids.reshape(-1).astype(jnp.int32)
    out = _make_emb(b * s, vocab, d_model)(ids_flat, weight)
    hidden_states = out.reshape(b, s, d_model)
    position_ids = jnp.arange(s, dtype=jnp.int32)[None, :]
    return (hidden_states, attention_mask, position_ids, labels)

# --- scband reference (transcript-rebuilt; emitter-appended) ---
"""Pipeline reference for scband-embedding-pipe-layer-11905649344883 (READ-ONLY COPY).

The authoritative reference and input builder live on the scoring server;
editing this copy changes nothing except your own understanding.
"""

import jax, jax.numpy as jnp
import numpy as np

VOCAB = 32000
D_MODEL = 2048
B = 4
S = 4096

def setup_inputs(seed: int = 0) -> dict:
    key = jax.random.key(seed)
    k1, k2, k3 = jax.random.split(key, 3)
    input_ids = jax.random.randint(k1, (B, S), 0, VOCAB, dtype=jnp.int64 if jax.config.read('jax_enable_x64') else jnp.int32)
    attention_mask = jnp.ones((B, S), dtype=jnp.int32)
    labels = jax.random.randint(k2, (B, S), 0, VOCAB, dtype=jnp.int32)
    weight = jax.random.normal(k3, (VOCAB, D_MODEL), dtype=jnp.float32) * 0.02
    return {"input_ids": input_ids, "attention_mask": attention_mask, "labels": labels, "weight": weight}

def reference(input_ids, attention_mask, labels, weight):
    batch_size, seq_length = input_ids.shape
    past_key_values_length = 0
    position_ids = jnp.arange(past_key_values_length, seq_length + past_key_values_length, dtype=jnp.int32)
    position_ids = position_ids[None, :].reshape(-1, seq_length)
    # embedding lookup: gather rows of the table
    inputs_embeds = jnp.take(weight, input_ids, axis=0)
    hidden_states = inputs_embeds
    return (hidden_states, attention_mask, position_ids, labels)

if __name__ == "__main__":
    import jax
    _d = setup_inputs()
    print(jax.jit(kernel)(*tuple(_d.values())))

</pallas_src>

<mosaic_0001>
#map = affine_map<(d0, d1) -> (0)>
#map1 = affine_map<(d0, d1) -> (0, 0)>
module attributes {stable_mosaic.version = 14 : i64} {
  func.func @_emb_body(%arg0: i32, %arg1: i32, %arg2: memref<16384xi32, #tpu.memory_space<hbm>>, %arg3: memref<32000x2048xf32, #tpu.memory_space<hbm>>, %arg4: memref<16384x2048xf32, #tpu.memory_space<hbm>>, %arg5: memref<512xi32, #tpu.memory_space<vmem>>, %arg6: memref<4x8x2048xf32, #tpu.memory_space<vmem>>, %arg7: memref<!tpu.dma_semaphore, #tpu.memory_space<semaphore_mem>>, %arg8: memref<!tpu.dma_semaphore, #tpu.memory_space<semaphore_mem>>, %arg9: memref<!tpu.dma_semaphore, #tpu.memory_space<semaphore_mem>>, %arg10: memref<!tpu.dma_semaphore, #tpu.memory_space<semaphore_mem>>) attributes {dimension_semantics = [#tpu.dimension_semantics<core_parallel>, #tpu.dimension_semantics<subcore_parallel>], iteration_bounds = array<i64: 2, 16>, scalar_prefetch = 0 : i64, scratch_operands = 6 : i64, tpu.core_type = #tpu.core_type<sc_vector_subcore>, window_params = [{transform_indices = #map}, {transform_indices = #map1}, {transform_indices = #map1}]} {
    %mul3A = arith.constant 2 : i32
    %mul3A_0 = arith.muli %arg1, %mul3A : i32
    %add3A = arith.addi %mul3A_0, %arg0 : i32
    %mul3A_1 = arith.constant 64 : i32
    %mul3A_2 = arith.muli %add3A, %mul3A_1 : i32
    %mul3A_3 = arith.constant 512 : i32
    %mul3A_4 = arith.muli %add3A, %mul3A_3 : i32
    "tpu.region"() ({
      %run_scoped3A_108 = tpu.sem_alloc : memref<!tpu.dma_semaphore, #tpu.memory_space<semaphore_mem>>
      %dma_start3A_109 = tpu.memref_slice %arg2[%mul3A_4] : memref<16384xi32, #tpu.memory_space<hbm>> -> memref<512xi32, #tpu.memory_space<hbm>>
      %dma_start3A_110 = tpu.memref_slice %arg2[%mul3A_4] : memref<16384xi32, #tpu.memory_space<hbm>> -> memref<512xi32, #tpu.memory_space<hbm>>
      tpu.enqueue_dma source(%dma_start3A_110 : memref<512xi32, #tpu.memory_space<hbm>>) target(%arg5 : memref<512xi32, #tpu.memory_space<vmem>>) target_semaphore(%run_scoped3A_108 : memref<!tpu.dma_semaphore, #tpu.memory_space<semaphore_mem>>)
      %dma_wait3A_111 = tpu.memref_slice %arg2[%mul3A_4] : memref<16384xi32, #tpu.memory_space<hbm>> -> memref<512xi32, #tpu.memory_space<hbm>>
      %dma_wait3A_112 = tpu.memref_slice %arg2[%mul3A_4] : memref<16384xi32, #tpu.memory_space<hbm>> -> memref<512xi32, #tpu.memory_space<hbm>>
      tpu.wait_dma2 semaphore(%run_scoped3A_108 : memref<!tpu.dma_semaphore, #tpu.memory_space<semaphore_mem>>) src(%dma_wait3A_112 : memref<512xi32, #tpu.memory_space<hbm>>) dst(%arg5 : memref<512xi32, #tpu.memory_space<vmem>>)
      tpu.yield
    }) : () -> ()
    %dma_start3A = arith.constant 0 : i32
    %dma_start3A_5 = arith.constant 0 : i32
    %dma_start3A_6 = arith.constant 0 : i32
    %dma_start3A_7 = tpu.memref_slice %arg6[%dma_start3A, %dma_start3A_5, %dma_start3A_6] : memref<4x8x2048xf32, #tpu.memory_space<vmem>> -> memref<1x8x2048xf32, #tpu.memory_space<vmem>>
    %dma_start3A_8 = tpu.memref_squeeze %dma_start3A_7 : memref<1x8x2048xf32, #tpu.memory_space<vmem>> -> memref<8x2048xf32, #tpu.memory_space<vmem>>
    %dma_start3A_9 = arith.constant 0 : i32
    %dma_start3A_10 = tpu.memref_slice %arg5[%dma_start3A_9] : memref<512xi32, #tpu.memory_space<vmem>> -> memref<8xi32, #tpu.memory_space<vmem>>
    %dma_start3A_11 = arith.constant 0 : i32
    %dma_start3A_12 = arith.constant 0 : i32
    %dma_start3A_13 = tpu.memref_slice %arg3[%dma_start3A_11, %dma_start3A_12] : memref<32000x2048xf32, #tpu.memory_space<hbm>> -> memref<32000x2048xf32, #tpu.memory_space<hbm>>
    tpu.enqueue_indirect_dma source(%dma_start3A_13 : memref<32000x2048xf32, #tpu.memory_space<hbm>>) target(%dma_start3A_8 : memref<8x2048xf32, #tpu.memory_space<vmem>>) offsets(%dma_start3A_10 : memref<8xi32, #tpu.memory_space<vmem>>) semaphore(%arg7 : memref<!tpu.dma_semaphore, #tpu.memory_space<semaphore_mem>>)
    %dma_start3A_14 = arith.constant 1 : i32
    %dma_start3A_15 = arith.constant 0 : i32
    %dma_start3A_16 = arith.constant 0 : i32
    %dma_start3A_17 = tpu.memref_slice %arg6[%dma_start3A_14, %dma_start3A_15, %dma_start3A_16] : memref<4x8x2048xf32, #tpu.memory_space<vmem>> -> memref<1x8x2048xf32, #tpu.memory_space<vmem>>
    %dma_start3A_18 = tpu.memref_squeeze %dma_start3A_17 : memref<1x8x2048xf32, #tpu.memory_space<vmem>> -> memref<8x2048xf32, #tpu.memory_space<vmem>>
    %dma_start3A_19 = arith.constant 8 : i32
    %dma_start3A_20 = tpu.memref_slice %arg5[%dma_start3A_19] : memref<512xi32, #tpu.memory_space<vmem>> -> memref<8xi32, #tpu.memory_space<vmem>>
    %dma_start3A_21 = arith.constant 0 : i32
    %dma_start3A_22 = arith.constant 0 : i32
    %dma_start3A_23 = tpu.memref_slice %arg3[%dma_start3A_21, %dma_start3A_22] : memref<32000x2048xf32, #tpu.memory_space<hbm>> -> memref<32000x2048xf32, #tpu.memory_space<hbm>>
    tpu.enqueue_indirect_dma source(%dma_start3A_23 : memref<32000x2048xf32, #tpu.memory_space<hbm>>) target(%dma_start3A_18 : memref<8x2048xf32, #tpu.memory_space<vmem>>) offsets(%dma_start3A_20 : memref<8xi32, #tpu.memory_space<vmem>>) semaphore(%arg8 : memref<!tpu.dma_semaphore, #tpu.memory_space<semaphore_mem>>)
    %dma_start3A_24 = arith.constant 2 : i32
    %dma_start3A_25 = arith.constant 0 : i32
    %dma_start3A_26 = arith.constant 0 : i32
    %dma_start3A_27 = tpu.memref_slice %arg6[%dma_start3A_24, %dma_start3A_25, %dma_start3A_26] : memref<4x8x2048xf32, #tpu.memory_space<vmem>> -> memref<1x8x2048xf32, #tpu.memory_space<vmem>>
    %dma_start3A_28 = tpu.memref_squeeze %dma_start3A_27 : memref<1x8x2048xf32, #tpu.memory_space<vmem>> -> memref<8x2048xf32, #tpu.memory_space<vmem>>
    %dma_start3A_29 = arith.constant 16 : i32
    %dma_start3A_30 = tpu.memref_slice %arg5[%dma_start3A_29] : memref<512xi32, #tpu.memory_space<vmem>> -> memref<8xi32, #tpu.memory_space<vmem>>
    %dma_start3A_31 = arith.constant 0 : i32
    %dma_start3A_32 = arith.constant 0 : i32
    %dma_start3A_33 = tpu.memref_slice %arg3[%dma_start3A_31, %dma_start3A_32] : memref<32000x2048xf32, #tpu.memory_space<hbm>> -> memref<32000x2048xf32, #tpu.memory_space<hbm>>
    tpu.enqueue_indirect_dma source(%dma_start3A_33 : memref<32000x2048xf32, #tpu.memory_space<hbm>>) target(%dma_start3A_28 : memref<8x2048xf32, #tpu.memory_space<vmem>>) offsets(%dma_start3A_30 : memref<8xi32, #tpu.memory_space<vmem>>) semaphore(%arg9 : memref<!tpu.dma_semaphore, #tpu.memory_space<semaphore_mem>>)
    %dma_start3A_34 = arith.constant 3 : i32
    %dma_start3A_35 = arith.constant 0 : i32
    %dma_start3A_36 = arith.constant 0 : i32
    %dma_start3A_37 = tpu.memref_slice %arg6[%dma_start3A_34, %dma_start3A_35, %dma_start3A_36] : memref<4x8x2048xf32, #tpu.memory_space<vmem>> -> memref<1x8x2048xf32, #tpu.memory_space<vmem>>
    %dma_start3A_38 = tpu.memref_squeeze %dma_start3A_37 : memref<1x8x2048xf32, #tpu.memory_space<vmem>> -> memref<8x2048xf32, #tpu.memory_space<vmem>>
    %dma_start3A_39 = arith.constant 24 : i32
    %dma_start3A_40 = tpu.memref_slice %arg5[%dma_start3A_39] : memref<512xi32, #tpu.memory_space<vmem>> -> memref<8xi32, #tpu.memory_space<vmem>>
    %dma_start3A_41 = arith.constant 0 : i32
    %dma_start3A_42 = arith.constant 0 : i32
    %dma_start3A_43 = tpu.memref_slice %arg3[%dma_start3A_41, %dma_start3A_42] : memref<32000x2048xf32, #tpu.memory_space<hbm>> -> memref<32000x2048xf32, #tpu.memory_space<hbm>>
    tpu.enqueue_indirect_dma source(%dma_start3A_43 : memref<32000x2048xf32, #tpu.memory_space<hbm>>) target(%dma_start3A_38 : memref<8x2048xf32, #tpu.memory_space<vmem>>) offsets(%dma_start3A_40 : memref<8xi32, #tpu.memory_space<vmem>>) semaphore(%arg10 : memref<!tpu.dma_semaphore, #tpu.memory_space<semaphore_mem>>)
    %scan3A = arith.constant 0 : i32
    %scan3A_44 = arith.constant 0 : i32
    %scan3A_45 = arith.constant 15 : i32
    %scan3A_46 = arith.addi %scan3A_44, %scan3A_45 : i32
    %scan3A_47 = arith.constant 1 : i32
    %scan3A_48 = scf.for %scan3A_108 = %scan3A_44 to %scan3A_46 step %scan3A_47 iter_args(%scan3A_109 = %scan3A) -> (i32)  : i32 {
      %mul3A_110 = arith.constant 4 : i32
      %mul3A_111 = arith.muli %scan3A_108, %mul3A_110 : i32
      %add3A_112 = arith.constant 0 : i32
      %add3A_113 = arith.addi %mul3A_111, %add3A_112 : i32
      %dma_wait3A_114 = arith.constant 0 : i32
      %dma_wait3A_115 = arith.constant 0 : i32
      %dma_wait3A_116 = arith.constant 0 : i32
      %dma_wait3A_117 = tpu.memref_slice %arg6[%dma_wait3A_114, %dma_wait3A_115, %dma_wait3A_116] : memref<4x8x2048xf32, #tpu.memory_space<vmem>> -> memref<1x8x2048xf32, #tpu.memory_space<vmem>>
      %dma_wait3A_118 = tpu.memref_squeeze %dma_wait3A_117 : memref<1x8x2048xf32, #tpu.memory_space<vmem>> -> memref<8x2048xf32, #tpu.memory_space<vmem>>
      %dma_wait3A_119 = arith.constant 0 : i32
      %dma_wait3A_120 = tpu.memref_slice %arg5[%dma_wait3A_119] : memref<512xi32, #tpu.memory_space<vmem>> -> memref<8xi32, #tpu.memory_space<vmem>>
      %dma_wait3A_121 = arith.constant 0 : i32
      %dma_wait3A_122 = arith.constant 0 : i32
      %dma_wait3A_123 = tpu.memref_slice %arg3[%dma_wait3A_121, %dma_wait3A_122] : memref<32000x2048xf32, #tpu.memory_space<hbm>> -> memref<32000x2048xf32, #tpu.memory_space<hbm>>
      tpu.wait_indirect_dma semaphore(%arg7 : memref<!tpu.dma_semaphore, #tpu.memory_space<semaphore_mem>>) src(%dma_wait3A_123 : memref<32000x2048xf32, #tpu.memory_space<hbm>>) dst(%dma_wait3A_118 : memref<8x2048xf32, #tpu.memory_space<vmem>>)
      %add3A_124 = arith.addi %mul3A_2, %add3A_113 : i32
      %mul3A_125 = arith.constant 8 : i32
      %mul3A_126 = arith.muli %add3A_124, %mul3A_125 : i32
      %run_scoped3A_127 = arith.constant 0 : i32
      "tpu.region"() ({
        %run_scoped3A_235 = tpu.sem_alloc : memref<!tpu.dma_semaphore, #tpu.memory_space<semaphore_mem>>
        %dma_start3A_236 = arith.constant 0 : i32
        %dma_start3A_237 = arith.constant 0 : i32
        %dma_start3A_238 = tpu.memref_slice %arg6[%run_scoped3A_127, %dma_start3A_236, %dma_start3A_237] : memref<4x8x2048xf32, #tpu.memory_space<vmem>> -> memref<1x8x2048xf32, #tpu.memory_space<vmem>>
        %dma_start3A_239 = tpu.memref_squeeze %dma_start3A_238 : memref<1x8x2048xf32, #tpu.memory_space<vmem>> -> memref<8x2048xf32, #tpu.memory_space<vmem>>
        %dma_start3A_240 = arith.constant 0 : i32
        %dma_start3A_241 = tpu.memref_slice %arg4[%mul3A_126, %dma_start3A_240] : memref<16384x2048xf32, #tpu.memory_space<hbm>> -> memref<8x2048xf32, #tpu.memory_space<hbm>>
        %dma_start3A_242 = arith.constant 0 : i32
        %dma_start3A_243 = tpu.memref_slice %arg4[%mul3A_126, %dma_start3A_242] : memref<16384x2048xf32, #tpu.memory_space<hbm>> -> memref<8x2048xf32, #tpu.memory_space<hbm>>
        %dma_start3A_244 = arith.constant 0 : i32
        %dma_start3A_245 = arith.constant 0 : i32
        %dma_start3A_246 = tpu.memref_slice %arg6[%run_scoped3A_127, %dma_start3A_244, %dma_start3A_245] : memref<4x8x2048xf32, #tpu.memory_space<vmem>> -> memref<1x8x2048xf32, #tpu.memory_space<vmem>>
        %dma_start3A_247 = tpu.memref_squeeze %dma_start3A_246 : memref<1x8x2048xf32, #tpu.memory_space<vmem>> -> memref<8x2048xf32, #tpu.memory_space<vmem>>
        tpu.enqueue_dma source(%dma_start3A_247 : memref<8x2048xf32, #tpu.memory_space<vmem>>) target(%dma_start3A_243 : memref<8x2048xf32, #tpu.memory_space<hbm>>) target_semaphore(%run_scoped3A_235 : memref<!tpu.dma_semaphore, #tpu.memory_space<semaphore_mem>>)
        %dma_wait3A_248 = arith.constant 0 : i32
        %dma_wait3A_249 = arith.constant 0 : i32
        %dma_wait3A_250 = tpu.memref_slice %arg6[%run_scoped3A_127, %dma_wait3A_248, %dma_wait3A_249] : memref<4x8x2048xf32, #tpu.memory_space<vmem>> -> memref<1x8x2048xf32, #tpu.memory_space<vmem>>
        %dma_wait3A_251 = tpu.memref_squeeze %dma_wait3A_250 : memref<1x8x2048xf32, #tpu.memory_space<vmem>> -> memref<8x2048xf32, #tpu.memory_space<vmem>>
        %dma_wait3A_252 = arith.constant 0 : i32
        %dma_wait3A_253 = tpu.memref_slice %arg4[%mul3A_126, %dma_wait3A_252] : memref<16384x2048xf32, #tpu.memory_space<hbm>> -> memref<8x2048xf32, #tpu.memory_space<hbm>>
        %dma_wait3A_254 = arith.constant 0 : i32
        %dma_wait3A_255 = tpu.memref_slice %arg4[%mul3A_126, %dma_wait3A_254] : memref<16384x2048xf32, #tpu.memory_space<hbm>> -> memref<8x2048xf32, #tpu.memory_space<hbm>>
        %dma_wait3A_256 = arith.constant 0 : i32
        %dma_wait3A_257 = arith.constant 0 : i32
        %dma_wait3A_258 = tpu.memref_slice %arg6[%run_scoped3A_127, %dma_wait3A_256, %dma_wait3A_257] : memref<4x8x2048xf32, #tpu.memory_space<vmem>> -> memref<1x8x2048xf32, #tpu.memory_space<vmem>>
        %dma_wait3A_259 = tpu.memref_squeeze %dma_wait3A_258 : memref<1x8x2048xf32, #tpu.memory_space<vmem>> -> memref<8x2048xf32, #tpu.memory_space<vmem>>
        tpu.wait_dma2 semaphore(%run_scoped3A_235 : memref<!tpu.dma_semaphore, #tpu.memory_space<semaphore_mem>>) src(%dma_wait3A_259 : memref<8x2048xf32, #tpu.memory_space<vmem>>) dst(%dma_wait3A_255 : memref<8x2048xf32, #tpu.memory_space<hbm>>)
        tpu.yield
      }) : () -> ()
      %add3A_128 = arith.constant 4 : i32
      %add3A_129 = arith.addi %add3A_113, %add3A_128 : i32
      %mul3A_130 = arith.constant 8 : i32
      %mul3A_131 = arith.muli %add3A_129, %mul3A_130 : i32
      %dma_start3A_132 = arith.constant 0 : i32
      %dma_start3A_133 = arith.constant 0 : i32
      %dma_start3A_134 = arith.constant 0 : i32
      %dma_start3A_135 = tpu.memref_slice %arg6[%dma_start3A_132, %dma_start3A_133, %dma_start3A_134] : memref<4x8x2048xf32, #tpu.memory_space<vmem>> -> memref<1x8x2048xf32, #tpu.memory_space<vmem>>
      %dma_start3A_136 = tpu.memref_squeeze %dma_start3A_135 : memref<1x8x2048xf32, #tpu.memory_space<vmem>> -> memref<8x2048xf32, #tpu.memory_space<vmem>>
      %dma_start3A_137 = tpu.memref_slice %arg5[%mul3A_131] : memref<512xi32, #tpu.memory_space<vmem>> -> memref<8xi32, #tpu.memory_space<vmem>>
      %dma_start3A_138 = arith.constant 0 : i32
      %dma_start3A_139 = arith.constant 0 : i32
      %dma_start3A_140 = tpu.memref_slice %arg3[%dma_start3A_138, %dma_start3A_139] : memref<32000x2048xf32, #tpu.memory_space<hbm>> -> memref<32000x2048xf32, #tpu.memory_space<hbm>>
      tpu.enqueue_indirect_dma source(%dma_start3A_140 : memref<32000x2048xf32, #tpu.memory_space<hbm>>) target(%dma_start3A_136 : memref<8x2048xf32, #tpu.memory_space<vmem>>) offsets(%dma_start3A_137 : memref<8xi32, #tpu.memory_space<vmem>>) semaphore(%arg7 : memref<!tpu.dma_semaphore, #tpu.memory_space<semaphore_mem>>)
      %mul3A_141 = arith.constant 4 : i32
      %mul3A_142 = arith.muli %scan3A_108, %mul3A_141 : i32
      %add3A_143 = arith.constant 1 : i32
      %add3A_144 = arith.addi %mul3A_142, %add3A_143 : i32
      %dma_wait3A_145 = arith.constant 1 : i32
      %dma_wait3A_146 = arith.constant 0 : i32
      %dma_wait3A_147 = arith.constant 0 : i32
      %dma_wait3A_148 = tpu.memref_slice %arg6[%dma_wait3A_145, %dma_wait3A_146, %dma_wait3A_147] : memref<4x8x2048xf32, #tpu.memory_space<vmem>> -> memref<1x8x2048xf32, #tpu.memory_space<vmem>>
      %dma_wait3A_149 = tpu.memref_squeeze %dma_wait3A_148 : memref<1x8x2048xf32, #tpu.memory_space<vmem>> -> memref<8x2048xf32, #tpu.memory_space<vmem>>
      %dma_wait3A_150 = arith.constant 0 : i32
      %dma_wait3A_151 = tpu.memref_slice %arg5[%dma_wait3A_150] : memref<512xi32, #tpu.memory_space<vmem>> -> memref<8xi32, #tpu.memory_space<vmem>>
      %dma_wait3A_152 = arith.constant 0 : i32
      %dma_wait3A_153 = arith.constant 0 : i32
      %dma_wait3A_154 = tpu.memref_slice %arg3[%dma_wait3A_152, %dma_wait3A_153] : memref<32000x2048xf32, #tpu.memory_space<hbm>> -> memref<32000x2048xf32, #tpu.memory_space<hbm>>
      tpu.wait_indirect_dma semaphore(%arg8 : memref<!tpu.dma_semaphore, #tpu.memory_space<semaphore_mem>>) src(%dma_wait3A_154 : memref<32000x2048xf32, #tpu.memory_space<hbm>>) dst(%dma_wait3A_149 : memref<8x2048xf32, #tpu.memory_space<vmem>>)
      %add3A_155 = arith.addi %mul3A_2, %add3A_144 : i32
      %mul3A_156 = arith.constant 8 : i32
      %mul3A_157 = arith.muli %add3A_155, %mul3A_156 : i32
      %run_scoped3A_158 = arith.constant 1 : i32
      "tpu.region"() ({
        %run_scoped3A_235 = tpu.sem_alloc : memref<!tpu.dma_semaphore, #tpu.memory_space<semaphore_mem>>
        %dma_start3A_236 = arith.constant 0 : i32
        %dma_start3A_237 = arith.constant 0 : i32
        %dma_start3A_238 = tpu.memref_slice %arg6[%run_scoped3A_158, %dma_start3A_236, %dma_start3A_237] : memref<4x8x2048xf32, #tpu.memory_space<vmem>> -> memref<1x8x2048xf32, #tpu.memory_space<vmem>>
        %dma_start3A_239 = tpu.memref_squeeze %dma_start3A_238 : memref<1x8x2048xf32, #tpu.memory_space<vmem>> -> memref<8x2048xf32, #tpu.memory_space<vmem>>
        %dma_start3A_240 = arith.constant 0 : i32
        %dma_start3A_241 = tpu.memref_slice %arg4[%mul3A_157, %dma_start3A_240] : memref<16384x2048xf32, #tpu.memory_space<hbm>> -> memref<8x2048xf32, #tpu.memory_space<hbm>>
        %dma_start3A_242 = arith.constant 0 : i32
        %dma_start3A_243 = tpu.memref_slice %arg4[%mul3A_157, %dma_start3A_242] : memref<16384x2048xf32, #tpu.memory_space<hbm>> -> memref<8x2048xf32, #tpu.memory_space<hbm>>
        %dma_start3A_244 = arith.constant 0 : i32
        %dma_start3A_245 = arith.constant 0 : i32
        %dma_start3A_246 = tpu.memref_slice %arg6[%run_scoped3A_158, %dma_start3A_244, %dma_start3A_245] : memref<4x8x2048xf32, #tpu.memory_space<vmem>> -> memref<1x8x2048xf32, #tpu.memory_space<vmem>>
        %dma_start3A_247 = tpu.memref_squeeze %dma_start3A_246 : memref<1x8x2048xf32, #tpu.memory_space<vmem>> -> memref<8x2048xf32, #tpu.memory_space<vmem>>
        tpu.enqueue_dma source(%dma_start3A_247 : memref<8x2048xf32, #tpu.memory_space<vmem>>) target(%dma_start3A_243 : memref<8x2048xf32, #tpu.memory_space<hbm>>) target_semaphore(%run_scoped3A_235 : memref<!tpu.dma_semaphore, #tpu.memory_space<semaphore_mem>>)
        %dma_wait3A_248 = arith.constant 0 : i32
        %dma_wait3A_249 = arith.constant 0 : i32
        %dma_wait3A_250 = tpu.memref_slice %arg6[%run_scoped3A_158, %dma_wait3A_248, %dma_wait3A_249] : memref<4x8x2048xf32, #tpu.memory_space<vmem>> -> memref<1x8x2048xf32, #tpu.memory_space<vmem>>
        %dma_wait3A_251 = tpu.memref_squeeze %dma_wait3A_250 : memref<1x8x2048xf32, #tpu.memory_space<vmem>> -> memref<8x2048xf32, #tpu.memory_space<vmem>>
        %dma_wait3A_252 = arith.constant 0 : i32
        %dma_wait3A_253 = tpu.memref_slice %arg4[%mul3A_157, %dma_wait3A_252] : memref<16384x2048xf32, #tpu.memory_space<hbm>> -> memref<8x2048xf32, #tpu.memory_space<hbm>>
        %dma_wait3A_254 = arith.constant 0 : i32
        %dma_wait3A_255 = tpu.memref_slice %arg4[%mul3A_157, %dma_wait3A_254] : memref<16384x2048xf32, #tpu.memory_space<hbm>> -> memref<8x2048xf32, #tpu.memory_space<hbm>>
        %dma_wait3A_256 = arith.constant 0 : i32
        %dma_wait3A_257 = arith.constant 0 : i32
        %dma_wait3A_258 = tpu.memref_slice %arg6[%run_scoped3A_158, %dma_wait3A_256, %dma_wait3A_257] : memref<4x8x2048xf32, #tpu.memory_space<vmem>> -> memref<1x8x2048xf32, #tpu.memory_space<vmem>>
        %dma_wait3A_259 = tpu.memref_squeeze %dma_wait3A_258 : memref<1x8x2048xf32, #tpu.memory_space<vmem>> -> memref<8x2048xf32, #tpu.memory_space<vmem>>
        tpu.wait_dma2 semaphore(%run_scoped3A_235 : memref<!tpu.dma_semaphore, #tpu.memory_space<semaphore_mem>>) src(%dma_wait3A_259 : memref<8x2048xf32, #tpu.memory_space<vmem>>) dst(%dma_wait3A_255 : memref<8x2048xf32, #tpu.memory_space<hbm>>)
        tpu.yield
      }) : () -> ()
      %add3A_159 = arith.constant 4 : i32
      %add3A_160 = arith.addi %add3A_144, %add3A_159 : i32
      %mul3A_161 = arith.constant 8 : i32
      %mul3A_162 = arith.muli %add3A_160, %mul3A_161 : i32
      %dma_start3A_163 = arith.constant 1 : i32
      %dma_start3A_164 = arith.constant 0 : i32
      %dma_start3A_165 = arith.constant 0 : i32
      %dma_start3A_166 = tpu.memref_slice %arg6[%dma_start3A_163, %dma_start3A_164, %dma_start3A_165] : memref<4x8x2048xf32, #tpu.memory_space<vmem>> -> memref<1x8x2048xf32, #tpu.memory_space<vmem>>
      %dma_start3A_167 = tpu.memref_squeeze %dma_start3A_166 : memref<1x8x2048xf32, #tpu.memory_space<vmem>> -> memref<8x2048xf32, #tpu.memory_space<vmem>>
      %dma_start3A_168 = tpu.memref_slice %arg5[%mul3A_162] : memref<512xi32, #tpu.memory_space<vmem>> -> memref<8xi32, #tpu.memory_space<vmem>>
      %dma_start3A_169 = arith.constant 0 : i32
      %dma_start3A_170 = arith.constant 0 : i32
      %dma_start3A_171 = tpu.memref_slice %arg3[%dma_start3A_169, %dma_start3A_170] : memref<32000x2048xf32, #tpu.memory_space<hbm>> -> memref<32000x2048xf32, #tpu.memory_space<hbm>>
      tpu.enqueue_indirect_dma source(%dma_start3A_171 : memref<32000x2048xf32, #tpu.memory_space<hbm>>) target(%dma_start3A_167 : memref<8x2048xf32, #tpu.memory_space<vmem>>) offsets(%dma_start3A_168 : memref<8xi32, #tpu.memory_space<vmem>>) semaphore(%arg8 : memref<!tpu.dma_semaphore, #tpu.memory_space<semaphore_mem>>)
      %mul3A_172 = arith.constant 4 : i32
      %mul3A_173 = arith.muli %scan3A_108, %mul3A_172 : i32
      %add3A_174 = arith.constant 2 : i32
      %add3A_175 = arith.addi %mul3A_173, %add3A_174 : i32
      %dma_wait3A_176 = arith.constant 2 : i32
      %dma_wait3A_177 = arith.constant 0 : i32
      %dma_wait3A_178 = arith.constant 0 : i32
      %dma_wait3A_179 = tpu.memref_slice %arg6[%dma_wait3A_176, %dma_wait3A_177, %dma_wait3A_178] : memref<4x8x2048xf32, #tpu.memory_space<vmem>> -> memref<1x8x2048xf32, #tpu.memory_space<vmem>>
      %dma_wait3A_180 = tpu.memref_squeeze %dma_wait3A_179 : memref<1x8x2048xf32, #tpu.memory_space<vmem>> -> memref<8x2048xf32, #tpu.memory_space<vmem>>
      %dma_wait3A_181 = arith.constant 0 : i32
      %dma_wait3A_182 = tpu.memref_slice %arg5[%dma_wait3A_181] : memref<512xi32, #tpu.memory_space<vmem>> -> memref<8xi32, #tpu.memory_space<vmem>>
      %dma_wait3A_183 = arith.constant 0 : i32
      %dma_wait3A_184 = arith.constant 0 : i32
      %dma_wait3A_185 = tpu.memref_slice %arg3[%dma_wait3A_183, %dma_wait3A_184] : memref<32000x2048xf32, #tpu.memory_space<hbm>> -> memref<32000x2048xf32, #tpu.memory_space<hbm>>
      tpu.wait_indirect_dma semaphore(%arg9 : memref<!tpu.dma_semaphore, #tpu.memory_space<semaphore_mem>>) src(%dma_wait3A_185 : memref<32000x2048xf32, #tpu.memory_space<hbm>>) dst(%dma_wait3A_180 : memref<8x2048xf32, #tpu.memory_space<vmem>>)
      %add3A_186 = arith.addi %mul3A_2, %add3A_175 : i32
      %mul3A_187 = arith.constant 8 : i32
      %mul3A_188 = arith.muli %add3A_186, %mul3A_187 : i32
      %run_scoped3A_189 = arith.constant 2 : i32
      "tpu.region"() ({
        %run_scoped3A_235 = tpu.sem_alloc : memref<!tpu.dma_semaphore, #tpu.memory_space<semaphore_mem>>
        %dma_start3A_236 = arith.constant 0 : i32
        %dma_start3A_237 = arith.constant 0 : i32
        %dma_start3A_238 = tpu.memref_slice %arg6[%run_scoped3A_189, %dma_start3A_236, %dma_start3A_237] : memref<4x8x2048xf32, #tpu.memory_space<vmem>> -> memref<1x8x2048xf32, #tpu.memory_space<vmem>>
        %dma_start3A_239 = tpu.memref_squeeze %dma_start3A_238 : memref<1x8x2048xf32, #tpu.memory_space<vmem>> -> memref<8x2048xf32, #tpu.memory_space<vmem>>
        %dma_start3A_240 = arith.constant 0 : i32
        %dma_start3A_241 = tpu.memref_slice %arg4[%mul3A_188, %dma_start3A_240] : memref<16384x2048xf32, #tpu.memory_space<hbm>> -> memref<8x2048xf32, #tpu.memory_space<hbm>>
        %dma_start3A_242 = arith.constant 0 : i32
        %dma_start3A_243 = tpu.memref_slice %arg4[%mul3A_188, %dma_start3A_242] : memref<16384x2048xf32, #tpu.memory_space<hbm>> -> memref<8x2048xf32, #tpu.memory_space<hbm>>
        %dma_start3A_244 = arith.constant 0 : i32
        %dma_start3A_245 = arith.constant 0 : i32
        %dma_start3A_246 = tpu.memref_slice %arg6[%run_scoped3A_189, %dma_start3A_244, %dma_start3A_245] : memref<4x8x2048xf32, #tpu.memory_space<vmem>> -> memref<1x8x2048xf32, #tpu.memory_space<vmem>>
        %dma_start3A_247 = tpu.memref_squeeze %dma_start3A_246 : memref<1x8x2048xf32, #tpu.memory_space<vmem>> -> memref<8x2048xf32, #tpu.memory_space<vmem>>
        tpu.enqueue_dma source(%dma_start3A_247 : memref<8x2048xf32, #tpu.memory_space<vmem>>) target(%dma_start3A_243 : memref<8x2048xf32, #tpu.memory_space<hbm>>) target_semaphore(%run_scoped3A_235 : memref<!tpu.dma_semaphore, #tpu.memory_space<semaphore_mem>>)
        %dma_wait3A_248 = arith.constant 0 : i32
        %dma_wait3A_249 = arith.constant 0 : i32
        %dma_wait3A_250 = tpu.memref_slice %arg6[%run_scoped3A_189, %dma_wait3A_248, %dma_wait3A_249] : memref<4x8x2048xf32, #tpu.memory_space<vmem>> -> memref<1x8x2048xf32, #tpu.memory_space<vmem>>
        %dma_wait3A_251 = tpu.memref_squeeze %dma_wait3A_250 : memref<1x8x2048xf32, #tpu.memory_space<vmem>> -> memref<8x2048xf32, #tpu.memory_space<vmem>>
        %dma_wait3A_252 = arith.constant 0 : i32
        %dma_wait3A_253 = tpu.memref_slice %arg4[%mul3A_188, %dma_wait3A_252] : memref<16384x2048xf32, #tpu.memory_space<hbm>> -> memref<8x2048xf32, #tpu.memory_space<hbm>>
        %dma_wait3A_254 = arith.constant 0 : i32
        %dma_wait3A_255 = tpu.memref_slice %arg4[%mul3A_188, %dma_wait3A_254] : memref<16384x2048xf32, #tpu.memory_space<hbm>> -> memref<8x2048xf32, #tpu.memory_space<hbm>>
        %dma_wait3A_256 = arith.constant 0 : i32
        %dma_wait3A_257 = arith.constant 0 : i32
        %dma_wait3A_258 = tpu.memref_slice %arg6[%run_scoped3A_189, %dma_wait3A_256, %dma_wait3A_257] : memref<4x8x2048xf32, #tpu.memory_space<vmem>> -> memref<1x8x2048xf32, #tpu.memory_space<vmem>>
        %dma_wait3A_259 = tpu.memref_squeeze %dma_wait3A_258 : memref<1x8x2048xf32, #tpu.memory_space<vmem>> -> memref<8x2048xf32, #tpu.memory_space<vmem>>
        tpu.wait_dma2 semaphore(%run_scoped3A_235 : memref<!tpu.dma_semaphore, #tpu.memory_space<semaphore_mem>>) src(%dma_wait3A_259 : memref<8x2048xf32, #tpu.memory_space<vmem>>) dst(%dma_wait3A_255 : memref<8x2048xf32, #tpu.memory_space<hbm>>)
        tpu.yield
      }) : () -> ()
      %add3A_190 = arith.constant 4 : i32
      %add3A_191 = arith.addi %add3A_175, %add3A_190 : i32
      %mul3A_192 = arith.constant 8 : i32
      %mul3A_193 = arith.muli %add3A_191, %mul3A_192 : i32
      %dma_start3A_194 = arith.constant 2 : i32
      %dma_start3A_195 = arith.constant 0 : i32
      %dma_start3A_196 = arith.constant 0 : i32
      %dma_start3A_197 = tpu.memref_slice %arg6[%dma_start3A_194, %dma_start3A_195, %dma_start3A_196] : memref<4x8x2048xf32, #tpu.memory_space<vmem>> -> memref<1x8x2048xf32, #tpu.memory_space<vmem>>
      %dma_start3A_198 = tpu.memref_squeeze %dma_start3A_197 : memref<1x8x2048xf32, #tpu.memory_space<vmem>> -> memref<8x2048xf32, #tpu.memory_space<vmem>>
      %dma_start3A_199 = tpu.memref_slice %arg5[%mul3A_193] : memref<512xi32, #tpu.memory_space<vmem>> -> memref<8xi32, #tpu.memory_space<vmem>>
      %dma_start3A_200 = arith.constant 0 : i32
      %dma_start3A_201 = arith.constant 0 : i32
      %dma_start3A_202 = tpu.memref_slice %arg3[%dma_start3A_200, %dma_start3A_201] : memref<32000x2048xf32, #tpu.memory_space<hbm>> -> memref<32000x2048xf32, #tpu.memory_space<hbm>>
      tpu.enqueue_indirect_dma source(%dma_start3A_202 : memref<32000x2048xf32, #tpu.memory_space<hbm>>) target(%dma_start3A_198 : memref<8x2048xf32, #tpu.memory_space<vmem>>) offsets(%dma_start3A_199 : memref<8xi32, #tpu.memory_space<vmem>>) semaphore(%arg9 : memref<!tpu.dma_semaphore, #tpu.memory_space<semaphore_mem>>)
      %mul3A_203 = arith.constant 4 : i32
      %mul3A_204 = arith.muli %scan3A_108, %mul3A_203 : i32
      %add3A_205 = arith.constant 3 : i32
      %add3A_206 = arith.addi %mul3A_204, %add3A_205 : i32
      %dma_wait3A_207 = arith.constant 3 : i32
      %dma_wait3A_208 = arith.constant 0 : i32
      %dma_wait3A_209 = arith.constant 0 : i32
      %dma_wait3A_210 = tpu.memref_slice %arg6[%dma_wait3A_207, %dma_wait3A_208, %dma_wait3A_209] : memref<4x8x2048xf32, #tpu.memory_space<vmem>> -> memref<1x8x2048xf32, #tpu.memory_space<vmem>>
      %dma_wait3A_211 = tpu.memref_squeeze %dma_wait3A_210 : memref<1x8x2048xf32, #tpu.memory_space<vmem>> -> memref<8x2048xf32, #tpu.memory_space<vmem>>
      %dma_wait3A_212 = arith.constant 0 : i32
      %dma_wait3A_213 = tpu.memref_slice %arg5[%dma_wait3A_212] : memref<512xi32, #tpu.memory_space<vmem>> -> memref<8xi32, #tpu.memory_space<vmem>>
      %dma_wait3A_214 = arith.constant 0 : i32
      %dma_wait3A_215 = arith.constant 0 : i32
      %dma_wait3A_216 = tpu.memref_slice %arg3[%dma_wait3A_214, %dma_wait3A_215] : memref<32000x2048xf32, #tpu.memory_space<hbm>> -> memref<32000x2048xf32, #tpu.memory_space<hbm>>
      tpu.wait_indirect_dma semaphore(%arg10 : memref<!tpu.dma_semaphore, #tpu.memory_space<semaphore_mem>>) src(%dma_wait3A_216 : memref<32000x2048xf32, #tpu.memory_space<hbm>>) dst(%dma_wait3A_211 : memref<8x2048xf32, #tpu.memory_space<vmem>>)
      %add3A_217 = arith.addi %mul3A_2, %add3A_206 : i32
      %mul3A_218 = arith.constant 8 : i32
      %mul3A_219 = arith.muli %add3A_217, %mul3A_218 : i32
      %run_scoped3A_220 = arith.constant 3 : i32
      "tpu.region"() ({
        %run_scoped3A_235 = tpu.sem_alloc : memref<!tpu.dma_semaphore, #tpu.memory_space<semaphore_mem>>
        %dma_start3A_236 = arith.constant 0 : i32
        %dma_start3A_237 = arith.constant 0 : i32
        %dma_start3A_238 = tpu.memref_slice %arg6[%run_scoped3A_220, %dma_start3A_236, %dma_start3A_237] : memref<4x8x2048xf32, #tpu.memory_space<vmem>> -> memref<1x8x2048xf32, #tpu.memory_space<vmem>>
        %dma_start3A_239 = tpu.memref_squeeze %dma_start3A_238 : memref<1x8x2048xf32, #tpu.memory_space<vmem>> -> memref<8x2048xf32, #tpu.memory_space<vmem>>
        %dma_start3A_240 = arith.constant 0 : i32
        %dma_start3A_241 = tpu.memref_slice %arg4[%mul3A_219, %dma_start3A_240] : memref<16384x2048xf32, #tpu.memory_space<hbm>> -> memref<8x2048xf32, #tpu.memory_space<hbm>>
        %dma_start3A_242 = arith.constant 0 : i32
        %dma_start3A_243 = tpu.memref_slice %arg4[%mul3A_219, %dma_start3A_242] : memref<16384x2048xf32, #tpu.memory_space<hbm>> -> memref<8x2048xf32, #tpu.memory_space<hbm>>
        %dma_start3A_244 = arith.constant 0 : i32
        %dma_start3A_245 = arith.constant 0 : i32
        %dma_start3A_246 = tpu.memref_slice %arg6[%run_scoped3A_220, %dma_start3A_244, %dma_start3A_245] : memref<4x8x2048xf32, #tpu.memory_space<vmem>> -> memref<1x8x2048xf32, #tpu.memory_space<vmem>>
        %dma_start3A_247 = tpu.memref_squeeze %dma_start3A_246 : memref<1x8x2048xf32, #tpu.memory_space<vmem>> -> memref<8x2048xf32, #tpu.memory_space<vmem>>
        tpu.enqueue_dma source(%dma_start3A_247 : memref<8x2048xf32, #tpu.memory_space<vmem>>) target(%dma_start3A_243 : memref<8x2048xf32, #tpu.memory_space<hbm>>) target_semaphore(%run_scoped3A_235 : memref<!tpu.dma_semaphore, #tpu.memory_space<semaphore_mem>>)
        %dma_wait3A_248 = arith.constant 0 : i32
        %dma_wait3A_249 = arith.constant 0 : i32
        %dma_wait3A_250 = tpu.memref_slice %arg6[%run_scoped3A_220, %dma_wait3A_248, %dma_wait3A_249] : memref<4x8x2048xf32, #tpu.memory_space<vmem>> -> memref<1x8x2048xf32, #tpu.memory_space<vmem>>
        %dma_wait3A_251 = tpu.memref_squeeze %dma_wait3A_250 : memref<1x8x2048xf32, #tpu.memory_space<vmem>> -> memref<8x2048xf32, #tpu.memory_space<vmem>>
        %dma_wait3A_252 = arith.constant 0 : i32
        %dma_wait3A_253 = tpu.memref_slice %arg4[%mul3A_219, %dma_wait3A_252] : memref<16384x2048xf32, #tpu.memory_space<hbm>> -> memref<8x2048xf32, #tpu.memory_space<hbm>>
        %dma_wait3A_254 = arith.constant 0 : i32
        %dma_wait3A_255 = tpu.memref_slice %arg4[%mul3A_219, %dma_wait3A_254] : memref<16384x2048xf32, #tpu.memory_space<hbm>> -> memref<8x2048xf32, #tpu.memory_space<hbm>>
        %dma_wait3A_256 = arith.constant 0 : i32
        %dma_wait3A_257 = arith.constant 0 : i32
        %dma_wait3A_258 = tpu.memref_slice %arg6[%run_scoped3A_220, %dma_wait3A_256, %dma_wait3A_257] : memref<4x8x2048xf32, #tpu.memory_space<vmem>> -> memref<1x8x2048xf32, #tpu.memory_space<vmem>>
        %dma_wait3A_259 = tpu.memref_squeeze %dma_wait3A_258 : memref<1x8x2048xf32, #tpu.memory_space<vmem>> -> memref<8x2048xf32, #tpu.memory_space<vmem>>
        tpu.wait_dma2 semaphore(%run_scoped3A_235 : memref<!tpu.dma_semaphore, #tpu.memory_space<semaphore_mem>>) src(%dma_wait3A_259 : memref<8x2048xf32, #tpu.memory_space<vmem>>) dst(%dma_wait3A_255 : memref<8x2048xf32, #tpu.memory_space<hbm>>)
        tpu.yield
      }) : () -> ()
      %add3A_221 = arith.constant 4 : i32
      %add3A_222 = arith.addi %add3A_206, %add3A_221 : i32
      %mul3A_223 = arith.constant 8 : i32
      %mul3A_224 = arith.muli %add3A_222, %mul3A_223 : i32
      %dma_start3A_225 = arith.constant 3 : i32
      %dma_start3A_226 = arith.constant 0 : i32
      %dma_start3A_227 = arith.constant 0 : i32
      %dma_start3A_228 = tpu.memref_slice %arg6[%dma_start3A_225, %dma_start3A_226, %dma_start3A_227] : memref<4x8x2048xf32, #tpu.memory_space<vmem>> -> memref<1x8x2048xf32, #tpu.memory_space<vmem>>
      %dma_start3A_229 = tpu.memref_squeeze %dma_start3A_228 : memref<1x8x2048xf32, #tpu.memory_space<vmem>> -> memref<8x2048xf32, #tpu.memory_space<vmem>>
      %dma_start3A_230 = tpu.memref_slice %arg5[%mul3A_224] : memref<512xi32, #tpu.memory_space<vmem>> -> memref<8xi32, #tpu.memory_space<vmem>>
      %dma_start3A_231 = arith.constant 0 : i32
      %dma_start3A_232 = arith.constant 0 : i32
      %dma_start3A_233 = tpu.memref_slice %arg3[%dma_start3A_231, %dma_start3A_232] : memref<32000x2048xf32, #tpu.memory_space<hbm>> -> memref<32000x2048xf32, #tpu.memory_space<hbm>>
      tpu.enqueue_indirect_dma source(%dma_start3A_233 : memref<32000x2048xf32, #tpu.memory_space<hbm>>) target(%dma_start3A_229 : memref<8x2048xf32, #tpu.memory_space<vmem>>) offsets(%dma_start3A_230 : memref<8xi32, #tpu.memory_space<vmem>>) semaphore(%arg10 : memref<!tpu.dma_semaphore, #tpu.memory_space<semaphore_mem>>)
      %scan3A_234 = arith.constant 0 : i32
      scf.yield %scan3A_234 : i32
    }
    %scan3A_49 = arith.constant 15 : i32
    %dma_wait3A = arith.constant 0 : i32
    %dma_wait3A_50 = arith.constant 0 : i32
    %dma_wait3A_51 = arith.constant 0 : i32
    %dma_wait3A_52 = tpu.memref_slice %arg6[%dma_wait3A, %dma_wait3A_50, %dma_wait3A_51] : memref<4x8x2048xf32, #tpu.memory_space<vmem>> -> memref<1x8x2048xf32, #tpu.memory_space<vmem>>
    %dma_wait3A_53 = tpu.memref_squeeze %dma_wait3A_52 : memref<1x8x2048xf32, #tpu.memory_space<vmem>> -> memref<8x2048xf32, #tpu.memory_space<vmem>>
    %dma_wait3A_54 = arith.constant 0 : i32
    %dma_wait3A_55 = tpu.memref_slice %arg5[%dma_wait3A_54] : memref<512xi32, #tpu.memory_space<vmem>> -> memref<8xi32, #tpu.memory_space<vmem>>
    %dma_wait3A_56 = arith.constant 0 : i32
    %dma_wait3A_57 = arith.constant 0 : i32
    %dma_wait3A_58 = tpu.memref_slice %arg3[%dma_wait3A_56, %dma_wait3A_57] : memref<32000x2048xf32, #tpu.memory_space<hbm>> -> memref<32000x2048xf32, #tpu.memory_space<hbm>>
    tpu.wait_indirect_dma semaphore(%arg7 : memref<!tpu.dma_semaphore, #tpu.memory_space<semaphore_mem>>) src(%dma_wait3A_58 : memref<32000x2048xf32, #tpu.memory_space<hbm>>) dst(%dma_wait3A_53 : memref<8x2048xf32, #tpu.memory_space<vmem>>)
    %add3A_59 = arith.constant 60 : i32
    %add3A_60 = arith.addi %mul3A_2, %add3A_59 : i32
    %mul3A_61 = arith.constant 8 : i32
    %mul3A_62 = arith.muli %add3A_60, %mul3A_61 : i32
    %run_scoped3A = arith.constant 0 : i32
    "tpu.region"() ({
      %run_scoped3A_108 = tpu.sem_alloc : memref<!tpu.dma_semaphore, #tpu.memory_space<semaphore_mem>>
      %dma_start3A_109 = arith.constant 0 : i32
      %dma_start3A_110 = arith.constant 0 : i32
      %dma_start3A_111 = tpu.memref_slice %arg6[%run_scoped3A, %dma_start3A_109, %dma_start3A_110] : memref<4x8x2048xf32, #tpu.memory_space<vmem>> -> memref<1x8x2048xf32, #tpu.memory_space<vmem>>
      %dma_start3A_112 = tpu.memref_squeeze %dma_start3A_111 : memref<1x8x2048xf32, #tpu.memory_space<vmem>> -> memref<8x2048xf32, #tpu.memory_space<vmem>>
      %dma_start3A_113 = arith.constant 0 : i32
      %dma_start3A_114 = tpu.memref_slice %arg4[%mul3A_62, %dma_start3A_113] : memref<16384x2048xf32, #tpu.memory_space<hbm>> -> memref<8x2048xf32, #tpu.memory_space<hbm>>
      %dma_start3A_115 = arith.constant 0 : i32
      %dma_start3A_116 = tpu.memref_slice %arg4[%mul3A_62, %dma_start3A_115] : memref<16384x2048xf32, #tpu.memory_space<hbm>> -> memref<8x2048xf32, #tpu.memory_space<hbm>>
      %dma_start3A_117 = arith.constant 0 : i32
      %dma_start3A_118 = arith.constant 0 : i32
      %dma_start3A_119 = tpu.memref_slice %arg6[%run_scoped3A, %dma_start3A_117, %dma_start3A_118] : memref<4x8x2048xf32, #tpu.memory_space<vmem>> -> memref<1x8x2048xf32, #tpu.memory_space<vmem>>
      %dma_start3A_120 = tpu.memref_squeeze %dma_start3A_119 : memref<1x8x2048xf32, #tpu.memory_space<vmem>> -> memref<8x2048xf32, #tpu.memory_space<vmem>>
      tpu.enqueue_dma source(%dma_start3A_120 : memref<8x2048xf32, #tpu.memory_space<vmem>>) target(%dma_start3A_116 : memref<8x2048xf32, #tpu.memory_space<hbm>>) target_semaphore(%run_scoped3A_108 : memref<!tpu.dma_semaphore, #tpu.memory_space<semaphore_mem>>)
      %dma_wait3A_121 = arith.constant 0 : i32
      %dma_wait3A_122 = arith.constant 0 : i32
      %dma_wait3A_123 = tpu.memref_slice %arg6[%run_scoped3A, %dma_wait3A_121, %dma_wait3A_122] : memref<4x8x2048xf32, #tpu.memory_space<vmem>> -> memref<1x8x2048xf32, #tpu.memory_space<vmem>>
      %dma_wait3A_124 = tpu.memref_squeeze %dma_wait3A_123 : memref<1x8x2048xf32, #tpu.memory_space<vmem>> -> memref<8x2048xf32, #tpu.memory_space<vmem>>
      %dma_wait3A_125 = arith.constant 0 : i32
      %dma_wait3A_126 = tpu.memref_slice %arg4[%mul3A_62, %dma_wait3A_125] : memref<16384x2048xf32, #tpu.memory_space<hbm>> -> memref<8x2048xf32, #tpu.memory_space<hbm>>
      %dma_wait3A_127 = arith.constant 0 : i32
      %dma_wait3A_128 = tpu.memref_slice %arg4[%mul3A_62, %dma_wait3A_127] : memref<16384x2048xf32, #tpu.memory_space<hbm>> -> memref<8x2048xf32, #tpu.memory_space<hbm>>
      %dma_wait3A_129 = arith.constant 0 : i32
      %dma_wait3A_130 = arith.constant 0 : i32
      %dma_wait3A_131 = tpu.memref_slice %arg6[%run_scoped3A, %dma_wait3A_129, %dma_wait3A_130] : memref<4x8x2048xf32, #tpu.memory_space<vmem>> -> memref<1x8x2048xf32, #tpu.memory_space<vmem>>
      %dma_wait3A_132 = tpu.memref_squeeze %dma_wait3A_131 : memref<1x8x2048xf32, #tpu.memory_space<vmem>> -> memref<8x2048xf32, #tpu.memory_space<vmem>>
      tpu.wait_dma2 semaphore(%run_scoped3A_108 : memref<!tpu.dma_semaphore, #tpu.memory_space<semaphore_mem>>) src(%dma_wait3A_132 : memref<8x2048xf32, #tpu.memory_space<vmem>>) dst(%dma_wait3A_128 : memref<8x2048xf32, #tpu.memory_space<hbm>>)
      tpu.yield
    }) : () -> ()
    %dma_wait3A_63 = arith.constant 1 : i32
    %dma_wait3A_64 = arith.constant 0 : i32
    %dma_wait3A_65 = arith.constant 0 : i32
    %dma_wait3A_66 = tpu.memref_slice %arg6[%dma_wait3A_63, %dma_wait3A_64, %dma_wait3A_65] : memref<4x8x2048xf32, #tpu.memory_space<vmem>> -> memref<1x8x2048xf32, #tpu.memory_space<vmem>>
    %dma_wait3A_67 = tpu.memref_squeeze %dma_wait3A_66 : memref<1x8x2048xf32, #tpu.memory_space<vmem>> -> memref<8x2048xf32, #tpu.memory_space<vmem>>
    %dma_wait3A_68 = arith.constant 0 : i32
    %dma_wait3A_69 = tpu.memref_slice %arg5[%dma_wait3A_68] : memref<512xi32, #tpu.memory_space<vmem>> -> memref<8xi32, #tpu.memory_space<vmem>>
    %dma_wait3A_70 = arith.constant 0 : i32
    %dma_wait3A_71 = arith.constant 0 : i32
    %dma_wait3A_72 = tpu.memref_slice %arg3[%dma_wait3A_70, %dma_wait3A_71] : memref<32000x2048xf32, #tpu.memory_space<hbm>> -> memref<32000x2048xf32, #tpu.memory_space<hbm>>
    tpu.wait_indirect_dma semaphore(%arg8 : memref<!tpu.dma_semaphore, #tpu.memory_space<semaphore_mem>>) src(%dma_wait3A_72 : memref<32000x2048xf32, #tpu.memory_space<hbm>>) dst(%dma_wait3A_67 : memref<8x2048xf32, #tpu.memory_space<vmem>>)
    %add3A_73 = arith.constant 61 : i32
    %add3A_74 = arith.addi %mul3A_2, %add3A_73 : i32
    %mul3A_75 = arith.constant 8 : i32
    %mul3A_76 = arith.muli %add3A_74, %mul3A_75 : i32
    %run_scoped3A_77 = arith.constant 1 : i32
    "tpu.region"() ({
      %run_scoped3A_108 = tpu.sem_alloc : memref<!tpu.dma_semaphore, #tpu.memory_space<semaphore_mem>>
      %dma_start3A_109 = arith.constant 0 : i32
      %dma_start3A_110 = arith.constant 0 : i32
      %dma_start3A_111 = tpu.memref_slice %arg6[%run_scoped3A_77, %dma_start3A_109, %dma_start3A_110] : memref<4x8x2048xf32, #tpu.memory_space<vmem>> -> memref<1x8x2048xf32, #tpu.memory_space<vmem>>
      %dma_start3A_112 = tpu.memref_squeeze %dma_start3A_111 : memref<1x8x2048xf32, #tpu.memory_space<vmem>> -> memref<8x2048xf32, #tpu.memory_space<vmem>>
      %dma_start3A_113 = arith.constant 0 : i32
      %dma_start3A_114 = tpu.memref_slice %arg4[%mul3A_76, %dma_start3A_113] : memref<16384x2048xf32, #tpu.memory_space<hbm>> -> memref<8x2048xf32, #tpu.memory_space<hbm>>
      %dma_start3A_115 = arith.constant 0 : i32
      %dma_start3A_116 = tpu.memref_slice %arg4[%mul3A_76, %dma_start3A_115] : memref<16384x2048xf32, #tpu.memory_space<hbm>> -> memref<8x2048xf32, #tpu.memory_space<hbm>>
      %dma_start3A_117 = arith.constant 0 : i32
      %dma_start3A_118 = arith.constant 0 : i32
      %dma_start3A_119 = tpu.memref_slice %arg6[%run_scoped3A_77, %dma_start3A_117, %dma_start3A_118] : memref<4x8x2048xf32, #tpu.memory_space<vmem>> -> memref<1x8x2048xf32, #tpu.memory_space<vmem>>
      %dma_start3A_120 = tpu.memref_squeeze %dma_start3A_119 : memref<1x8x2048xf32, #tpu.memory_space<vmem>> -> memref<8x2048xf32, #tpu.memory_space<vmem>>
      tpu.enqueue_dma source(%dma_start3A_120 : memref<8x2048xf32, #tpu.memory_space<vmem>>) target(%dma_start3A_116 : memref<8x2048xf32, #tpu.memory_space<hbm>>) target_semaphore(%run_scoped3A_108 : memref<!tpu.dma_semaphore, #tpu.memory_space<semaphore_mem>>)
      %dma_wait3A_121 = arith.constant 0 : i32
      %dma_wait3A_122 = arith.constant 0 : i32
      %dma_wait3A_123 = tpu.memref_slice %arg6[%run_scoped3A_77, %dma_wait3A_121, %dma_wait3A_122] : memref<4x8x2048xf32, #tpu.memory_space<vmem>> -> memref<1x8x2048xf32, #tpu.memory_space<vmem>>
      %dma_wait3A_124 = tpu.memref_squeeze %dma_wait3A_123 : memref<1x8x2048xf32, #tpu.memory_space<vmem>> -> memref<8x2048xf32, #tpu.memory_space<vmem>>
      %dma_wait3A_125 = arith.constant 0 : i32
      %dma_wait3A_126 = tpu.memref_slice %arg4[%mul3A_76, %dma_wait3A_125] : memref<16384x2048xf32, #tpu.memory_space<hbm>> -> memref<8x2048xf32, #tpu.memory_space<hbm>>
      %dma_wait3A_127 = arith.constant 0 : i32
      %dma_wait3A_128 = tpu.memref_slice %arg4[%mul3A_76, %dma_wait3A_127] : memref<16384x2048xf32, #tpu.memory_space<hbm>> -> memref<8x2048xf32, #tpu.memory_space<hbm>>
      %dma_wait3A_129 = arith.constant 0 : i32
      %dma_wait3A_130 = arith.constant 0 : i32
      %dma_wait3A_131 = tpu.memref_slice %arg6[%run_scoped3A_77, %dma_wait3A_129, %dma_wait3A_130] : memref<4x8x2048xf32, #tpu.memory_space<vmem>> -> memref<1x8x2048xf32, #tpu.memory_space<vmem>>
      %dma_wait3A_132 = tpu.memref_squeeze %dma_wait3A_131 : memref<1x8x2048xf32, #tpu.memory_space<vmem>> -> memref<8x2048xf32, #tpu.memory_space<vmem>>
      tpu.wait_dma2 semaphore(%run_scoped3A_108 : memref<!tpu.dma_semaphore, #tpu.memory_space<semaphore_mem>>) src(%dma_wait3A_132 : memref<8x2048xf32, #tpu.memory_space<vmem>>) dst(%dma_wait3A_128 : memref<8x2048xf32, #tpu.memory_space<hbm>>)
      tpu.yield
    }) : () -> ()
    %dma_wait3A_78 = arith.constant 2 : i32
    %dma_wait3A_79 = arith.constant 0 : i32
    %dma_wait3A_80 = arith.constant 0 : i32
    %dma_wait3A_81 = tpu.memref_slice %arg6[%dma_wait3A_78, %dma_wait3A_79, %dma_wait3A_80] : memref<4x8x2048xf32, #tpu.memory_space<vmem>> -> memref<1x8x2048xf32, #tpu.memory_space<vmem>>
    %dma_wait3A_82 = tpu.memref_squeeze %dma_wait3A_81 : memref<1x8x2048xf32, #tpu.memory_space<vmem>> -> memref<8x2048xf32, #tpu.memory_space<vmem>>
    %dma_wait3A_83 = arith.constant 0 : i32
    %dma_wait3A_84 = tpu.memref_slice %arg5[%dma_wait3A_83] : memref<512xi32, #tpu.memory_space<vmem>> -> memref<8xi32, #tpu.memory_space<vmem>>
    %dma_wait3A_85 = arith.constant 0 : i32
    %dma_wait3A_86 = arith.constant 0 : i32
    %dma_wait3A_87 = tpu.memref_slice %arg3[%dma_wait3A_85, %dma_wait3A_86] : memref<32000x2048xf32, #tpu.memory_space<hbm>> -> memref<32000x2048xf32, #tpu.memory_space<hbm>>
    tpu.wait_indirect_dma semaphore(%arg9 : memref<!tpu.dma_semaphore, #tpu.memory_space<semaphore_mem>>) src(%dma_wait3A_87 : memref<32000x2048xf32, #tpu.memory_space<hbm>>) dst(%dma_wait3A_82 : memref<8x2048xf32, #tpu.memory_space<vmem>>)
    %add3A_88 = arith.constant 62 : i32
    %add3A_89 = arith.addi %mul3A_2, %add3A_88 : i32
    %mul3A_90 = arith.constant 8 : i32
    %mul3A_91 = arith.muli %add3A_89, %mul3A_90 : i32
    %run_scoped3A_92 = arith.constant 2 : i32
    "tpu.region"() ({
      %run_scoped3A_108 = tpu.sem_alloc : memref<!tpu.dma_semaphore, #tpu.memory_space<semaphore_mem>>
      %dma_start3A_109 = arith.constant 0 : i32
      %dma_start3A_110 = arith.constant 0 : i32
      %dma_start3A_111 = tpu.memref_slice %arg6[%run_scoped3A_92, %dma_start3A_109, %dma_start3A_110] : memref<4x8x2048xf32, #tpu.memory_space<vmem>> -> memref<1x8x2048xf32, #tpu.memory_space<vmem>>
      %dma_start3A_112 = tpu.memref_squeeze %dma_start3A_111 : memref<1x8x2048xf32, #tpu.memory_space<vmem>> -> memref<8x2048xf32, #tpu.memory_space<vmem>>
      %dma_start3A_113 = arith.constant 0 : i32
      %dma_start3A_114 = tpu.memref_slice %arg4[%mul3A_91, %dma_start3A_113] : memref<16384x2048xf32, #tpu.memory_space<hbm>> -> memref<8x2048xf32, #tpu.memory_space<hbm>>
      %dma_start3A_115 = arith.constant 0 : i32
      %dma_start3A_116 = tpu.memref_slice %arg4[%mul3A_91, %dma_start3A_115] : memref<16384x2048xf32, #tpu.memory_space<hbm>> -> memref<8x2048xf32, #tpu.memory_space<hbm>>
      %dma_start3A_117 = arith.constant 0 : i32
      %dma_start3A_118 = arith.constant 0 : i32
      %dma_start3A_119 = tpu.memref_slice %arg6[%run_scoped3A_92, %dma_start3A_117, %dma_start3A_118] : memref<4x8x2048xf32, #tpu.memory_space<vmem>> -> memref<1x8x2048xf32, #tpu.memory_space<vmem>>
      %dma_start3A_120 = tpu.memref_squeeze %dma_start3A_119 : memref<1x8x2048xf32, #tpu.memory_space<vmem>> -> memref<8x2048xf32, #tpu.memory_space<vmem>>
      tpu.enqueue_dma source(%dma_start3A_120 : memref<8x2048xf32, #tpu.memory_space<vmem>>) target(%dma_start3A_116 : memref<8x2048xf32, #tpu.memory_space<hbm>>) target_semaphore(%run_scoped3A_108 : memref<!tpu.dma_semaphore, #tpu.memory_space<semaphore_mem>>)
      %dma_wait3A_121 = arith.constant 0 : i32
      %dma_wait3A_122 = arith.constant 0 : i32
      %dma_wait3A_123 = tpu.memref_slice %arg6[%run_scoped3A_92, %dma_wait3A_121, %dma_wait3A_122] : memref<4x8x2048xf32, #tpu.memory_space<vmem>> -> memref<1x8x2048xf32, #tpu.memory_space<vmem>>
      %dma_wait3A_124 = tpu.memref_squeeze %dma_wait3A_123 : memref<1x8x2048xf32, #tpu.memory_space<vmem>> -> memref<8x2048xf32, #tpu.memory_space<vmem>>
      %dma_wait3A_125 = arith.constant 0 : i32
      %dma_wait3A_126 = tpu.memref_slice %arg4[%mul3A_91, %dma_wait3A_125] : memref<16384x2048xf32, #tpu.memory_space<hbm>> -> memref<8x2048xf32, #tpu.memory_space<hbm>>
      %dma_wait3A_127 = arith.constant 0 : i32
      %dma_wait3A_128 = tpu.memref_slice %arg4[%mul3A_91, %dma_wait3A_127] : memref<16384x2048xf32, #tpu.memory_space<hbm>> -> memref<8x2048xf32, #tpu.memory_space<hbm>>
      %dma_wait3A_129 = arith.constant 0 : i32
      %dma_wait3A_130 = arith.constant 0 : i32
      %dma_wait3A_131 = tpu.memref_slice %arg6[%run_scoped3A_92, %dma_wait3A_129, %dma_wait3A_130] : memref<4x8x2048xf32, #tpu.memory_space<vmem>> -> memref<1x8x2048xf32, #tpu.memory_space<vmem>>
      %dma_wait3A_132 = tpu.memref_squeeze %dma_wait3A_131 : memref<1x8x2048xf32, #tpu.memory_space<vmem>> -> memref<8x2048xf32, #tpu.memory_space<vmem>>
      tpu.wait_dma2 semaphore(%run_scoped3A_108 : memref<!tpu.dma_semaphore, #tpu.memory_space<semaphore_mem>>) src(%dma_wait3A_132 : memref<8x2048xf32, #tpu.memory_space<vmem>>) dst(%dma_wait3A_128 : memref<8x2048xf32, #tpu.memory_space<hbm>>)
      tpu.yield
    }) : () -> ()
    %dma_wait3A_93 = arith.constant 3 : i32
    %dma_wait3A_94 = arith.constant 0 : i32
    %dma_wait3A_95 = arith.constant 0 : i32
    %dma_wait3A_96 = tpu.memref_slice %arg6[%dma_wait3A_93, %dma_wait3A_94, %dma_wait3A_95] : memref<4x8x2048xf32, #tpu.memory_space<vmem>> -> memref<1x8x2048xf32, #tpu.memory_space<vmem>>
    %dma_wait3A_97 = tpu.memref_squeeze %dma_wait3A_96 : memref<1x8x2048xf32, #tpu.memory_space<vmem>> -> memref<8x2048xf32, #tpu.memory_space<vmem>>
    %dma_wait3A_98 = arith.constant 0 : i32
    %dma_wait3A_99 = tpu.memref_slice %arg5[%dma_wait3A_98] : memref<512xi32, #tpu.memory_space<vmem>> -> memref<8xi32, #tpu.memory_space<vmem>>
    %dma_wait3A_100 = arith.constant 0 : i32
    %dma_wait3A_101 = arith.constant 0 : i32
    %dma_wait3A_102 = tpu.memref_slice %arg3[%dma_wait3A_100, %dma_wait3A_101] : memref<32000x2048xf32, #tpu.memory_space<hbm>> -> memref<32000x2048xf32, #tpu.memory_space<hbm>>
    tpu.wait_indirect_dma semaphore(%arg10 : memref<!tpu.dma_semaphore, #tpu.memory_space<semaphore_mem>>) src(%dma_wait3A_102 : memref<32000x2048xf32, #tpu.memory_space<hbm>>) dst(%dma_wait3A_97 : memref<8x2048xf32, #tpu.memory_space<vmem>>)
    %add3A_103 = arith.constant 63 : i32
    %add3A_104 = arith.addi %mul3A_2, %add3A_103 : i32
    %mul3A_105 = arith.constant 8 : i32
    %mul3A_106 = arith.muli %add3A_104, %mul3A_105 : i32
    %run_scoped3A_107 = arith.constant 3 : i32
    "tpu.region"() ({
      %run_scoped3A_108 = tpu.sem_alloc : memref<!tpu.dma_semaphore, #tpu.memory_space<semaphore_mem>>
      %dma_start3A_109 = arith.constant 0 : i32
      %dma_start3A_110 = arith.constant 0 : i32
      %dma_start3A_111 = tpu.memref_slice %arg6[%run_scoped3A_107, %dma_start3A_109, %dma_start3A_110] : memref<4x8x2048xf32, #tpu.memory_space<vmem>> -> memref<1x8x2048xf32, #tpu.memory_space<vmem>>
      %dma_start3A_112 = tpu.memref_squeeze %dma_start3A_111 : memref<1x8x2048xf32, #tpu.memory_space<vmem>> -> memref<8x2048xf32, #tpu.memory_space<vmem>>
      %dma_start3A_113 = arith.constant 0 : i32
      %dma_start3A_114 = tpu.memref_slice %arg4[%mul3A_106, %dma_start3A_113] : memref<16384x2048xf32, #tpu.memory_space<hbm>> -> memref<8x2048xf32, #tpu.memory_space<hbm>>
      %dma_start3A_115 = arith.constant 0 : i32
      %dma_start3A_116 = tpu.memref_slice %arg4[%mul3A_106, %dma_start3A_115] : memref<16384x2048xf32, #tpu.memory_space<hbm>> -> memref<8x2048xf32, #tpu.memory_space<hbm>>
      %dma_start3A_117 = arith.constant 0 : i32
      %dma_start3A_118 = arith.constant 0 : i32
      %dma_start3A_119 = tpu.memref_slice %arg6[%run_scoped3A_107, %dma_start3A_117, %dma_start3A_118] : memref<4x8x2048xf32, #tpu.memory_space<vmem>> -> memref<1x8x2048xf32, #tpu.memory_space<vmem>>
      %dma_start3A_120 = tpu.memref_squeeze %dma_start3A_119 : memref<1x8x2048xf32, #tpu.memory_space<vmem>> -> memref<8x2048xf32, #tpu.memory_space<vmem>>
      tpu.enqueue_dma source(%dma_start3A_120 : memref<8x2048xf32, #tpu.memory_space<vmem>>) target(%dma_start3A_116 : memref<8x2048xf32, #tpu.memory_space<hbm>>) target_semaphore(%run_scoped3A_108 : memref<!tpu.dma_semaphore, #tpu.memory_space<semaphore_mem>>)
      %dma_wait3A_121 = arith.constant 0 : i32
      %dma_wait3A_122 = arith.constant 0 : i32
      %dma_wait3A_123 = tpu.memref_slice %arg6[%run_scoped3A_107, %dma_wait3A_121, %dma_wait3A_122] : memref<4x8x2048xf32, #tpu.memory_space<vmem>> -> memref<1x8x2048xf32, #tpu.memory_space<vmem>>
      %dma_wait3A_124 = tpu.memref_squeeze %dma_wait3A_123 : memref<1x8x2048xf32, #tpu.memory_space<vmem>> -> memref<8x2048xf32, #tpu.memory_space<vmem>>
      %dma_wait3A_125 = arith.constant 0 : i32
      %dma_wait3A_126 = tpu.memref_slice %arg4[%mul3A_106, %dma_wait3A_125] : memref<16384x2048xf32, #tpu.memory_space<hbm>> -> memref<8x2048xf32, #tpu.memory_space<hbm>>
      %dma_wait3A_127 = arith.constant 0 : i32
      %dma_wait3A_128 = tpu.memref_slice %arg4[%mul3A_106, %dma_wait3A_127] : memref<16384x2048xf32, #tpu.memory_space<hbm>> -> memref<8x2048xf32, #tpu.memory_space<hbm>>
      %dma_wait3A_129 = arith.constant 0 : i32
      %dma_wait3A_130 = arith.constant 0 : i32
      %dma_wait3A_131 = tpu.memref_slice %arg6[%run_scoped3A_107, %dma_wait3A_129, %dma_wait3A_130] : memref<4x8x2048xf32, #tpu.memory_space<vmem>> -> memref<1x8x2048xf32, #tpu.memory_space<vmem>>
      %dma_wait3A_132 = tpu.memref_squeeze %dma_wait3A_131 : memref<1x8x2048xf32, #tpu.memory_space<vmem>> -> memref<8x2048xf32, #tpu.memory_space<vmem>>
      tpu.wait_dma2 semaphore(%run_scoped3A_108 : memref<!tpu.dma_semaphore, #tpu.memory_space<semaphore_mem>>) src(%dma_wait3A_132 : memref<8x2048xf32, #tpu.memory_space<vmem>>) dst(%dma_wait3A_128 : memref<8x2048xf32, #tpu.memory_space<hbm>>)
      tpu.yield
    }) : () -> ()
    return
  }
}

</mosaic_0001>

<sc_bundles>
// kernel: kernel.3.cloned.1.call-start
scs
__scs_entry_jumppad:
0x0: {  	(pc) =	sbr.rel $0x88, $3  }
0x1: {  	(tag) =	ssettag $0x0;
	lr =	simm.s32 $0x1  }
0x2: {  	[smem:$0x3F9D] =	sst lr;
	_ =	strace $0xD0000000  }
0x3: {  	_ = 	snop  }
0x4: {  	_ = 	snop  }
0x5: {  	_ = 	snop  }
0x6: {  	_ = 	snop  }
0x7: {  	_ = 	snop  }
__scs_overlays_trampoline_lowered:
0x8: {  	[smem:$0x3FAC] =	sst s0  }
0x9: {  	[smem:$0x3FAD] =	sst s1  }
0xa: {  	[smem:$0x3FAE] =	sst s2  }
0xb: {  	[smem:$0x3FAF] =	sst s3  }
0xc: {  	[smem:$0x3FB0] =	sst s4  }
0xd: {  	[smem:$0x3FB1] =	sst s5  }
0xe: {  	[smem:$0x3FB2] =	sst s6  }
0xf: {  	[smem:$0x3FB3] =	sst s7  }
0x10: {  	[smem:$0x3FB4] =	sst s8  }
0x11: {  	[smem:$0x3FB5] =	sst s9;
	s0 =	simm.s32 @!p0 $0x0  }
0x12: {  	s1 =	sld [smem:$0x3F9B];
	s0 =	simm.s32 @p0 $0x1  }
0x13: {  	[smem:$0x3FB6] =	sst s0;
	s0 =	simm.s32 @!p1 $0x0  }
0x14: {  	s2 =	sld [smem:$0x3F9A];
	s0 =	simm.s32 @p1 $0x1  }
0x15: {  	[smem:$0x3FB7] =	sst s0;
	s0 =	simm.s32 @!p2 $0x0  }
0x16: {  	s3 =	sld [smem:$0x3FDB];
	s0 =	simm.s32 @p2 $0x1  }
0x17: {  	s4 =	simm.s32 $0x1BF5;
	[smem:$0x3FB9] =	sst s0  }
0x18: {  	s0 =	sld [smem:$0x3F9C];
	_ =	swait.ge [sflag:s4], $0x0  }
0x19: {  	s7 =	sld [smem:$0x3F9D]  }
0x1a: {  	s8 =	sadd.s32 $0xFFFFE003, lr  }
0x1b: {  	s9 =	sadd.s32 $0xFFFFFEF7, lr;
	s5 =	simm.s32 $0xFFFFFFFF;
	p2 =	slt.u32 s8, $0xFFFFF086  }
0x1c: {  	p1 =	slt.u32 s9, $0xF7A;
	s5 =	simm.s32 @!p2 $0x0  }
0x1d: {  	s5 =	simm.s32 @p1 $0x1;
	p0 =	seq.s32 s7, s2  }
0x1e: {  	s7 =	smul.u32 @!p0 $0xF7A, s2;
	p2 =	seq.s32 @!p0 s5, $0x0  }
0x1f: {  	s9 =	smul.u32 $0xF7A, s1;
	s8 =	simm.s32 @!p0 $0x1BF5;
	p2 =	por !p2, p0  }
0x20: {  	[sflag:s8] =	ssyncset.s32 @!p0 $0xFFFFF086;
	s6 =	sadd.s32 @!p0 s3, s7;
	s7 =	simm.s32 @!p0 $0x108  }
0x21: {  	s3 =	sadd.s32 s3, s9;
	s6 =	sadd.s32 @!p0 $0x88, s6;
	s7 =	simm.s32 @p2 $0x1082  }
0x22: {  	[simem:s7], [sflag:s8] =	dma.local @!p0 [hbm:s6], $0xF7A  }
0x23: {  	s9 =	sor.u32 $0xD0000000, s2;
	s6 =	simm.s32 $0x108;
	_ =	swait.ge @!p0 [sflag:s8], $0x0  }
0x24: {  	s3 =	sadd.s32 $0x88, s3;
	s6 =	simm.s32 @!p1 $0x1082;
	[sflag:s4] =	ssyncset.s32 $0xFFFFF086  }
0x25: {  	[simem:s6], [sflag:s4] =	dma.local [hbm:s3], $0xF7A  }
0x26: {  	[smem:$0x3F9D] =	sst s1;
	(tag) =	ssettag s2;
	_ =	strace s9  }
0x27: {  	s1 =	sld [smem:$0x3FAD]  }
0x28: {  	s2 =	sld [smem:$0x3FAE]  }
0x29: {  	s4 =	sld [smem:$0x3FB0]  }
0x2a: {  	p0 =	seq.s32 s5, $0x0;
	s5 =	sld [smem:$0x3FB1]  }
0x2b: {  	s6 =	sld [smem:$0x3FB2]  }
0x2c: {  	s7 =	sld [smem:$0x3FB3]  }
0x2d: {  	s3 =	simm.s32 $0x108;
	s8 =	sld [smem:$0x3FB4]  }
0x2e: {  	s3 =	simm.s32 @!p0 $0x1082;
	s9 =	sld [smem:$0x3FB5]  }
0x2f: {  	lr =	sadd.s32 s0, s3;
	s0 =	sld [smem:$0x3FAC]  }
0x30: {  	s3 =	sld [smem:$0x3FAF]  }
0x31: {  	[smem:$0x3FB8] =	sst s10  }
0x32: {  	s10 =	sld [smem:$0x3FB6];
	_ =	sdelay $0x3  }
0x33: {  	p0 =	seq.s32 s10, $0x1;
	s10 =	sld [smem:$0x3FB8];
	_ =	sdelay $0x3  }
0x34: {  	[smem:$0x3FB8] =	sst s10  }
0x35: {  	s10 =	sld [smem:$0x3FB7];
	_ =	sdelay $0x3  }
0x36: {  	p1 =	seq.s32 s10, $0x1;
	s10 =	sld [smem:$0x3FB8];
	_ =	sdelay $0x3  }
0x37: {  	[smem:$0x3FB8] =	sst s10  }
0x38: {  	s10 =	sld [smem:$0x3FB9]  }
0x39: {  	_ = 	snop;
	(pc) =	sbr.ind lr, $3  }
0x3a: {  	_ = 	snop  }
0x3b: {  	_ = 	snop  }
0x3c: {  	p2 =	seq.s32 s10, $0x1;
	s10 =	sld [smem:$0x3FB8]  }
0x3d: {  	_ =	shalt  }
0x3e: {  	_ =	shalt  }
0x3f: {  	_ =	shalt  }
0x40: {  	_ =	shalt  }
0x41: {  	_ =	shalt  }
0x42: {  	_ =	shalt  }
0x43: {  	_ =	shalt  }
0x44: {  	_ =	shalt  }
0x45: {  	_ =	shalt  }
0x46: {  	_ =	shalt  }
0x47: {  	_ =	shalt  }
0x48: {  	_ =	shalt  }
0x49: {  	_ =	shalt  }
0x4a: {  	_ =	shalt  }
0x4b: {  	_ =	shalt  }
0x4c: {  	_ =	shalt  }
0x4d: {  	_ =	shalt  }
0x4e: {  	_ =	shalt  }
0x4f: {  	_ =	shalt  }
0x50: {  	_ =	shalt  }
0x51: {  	_ =	shalt  }
0x52: {  	_ =	shalt  }
0x53: {  	_ =	shalt  }
0x54: {  	_ =	shalt  }
0x55: {  	_ =	shalt  }
0x56: {  	_ =	shalt  }
0x57: {  	_ =	shalt  }
0x58: {  	_ =	shalt  }
0x59: {  	_ =	shalt  }
0x5a: {  	_ =	shalt  }
0x5b: {  	_ =	shalt  }
0x5c: {  	_ =	shalt  }
0x5d: {  	_ =	shalt  }
0x5e: {  	_ =	shalt  }
0x5f: {  	_ =	shalt  }
0x60: {  	_ =	shalt  }
0x61: {  	_ =	shalt  }
0x62: {  	_ =	shalt  }
0x63: {  	_ =	shalt  }
0x64: {  	_ =	shalt  }
0x65: {  	_ =	shalt  }
0x66: {  	_ =	shalt  }
0x67: {  	_ =	shalt  }
0x68: {  	_ =	shalt  }
0x69: {  	_ =	shalt  }
0x6a: {  	_ =	shalt  }
0x6b: {  	_ =	shalt  }
0x6c: {  	_ =	shalt  }
0x6d: {  	_ =	shalt  }
0x6e: {  	_ =	shalt  }
0x6f: {  	_ =	shalt  }
0x70: {  	_ =	shalt  }
0x71: {  	_ =	shalt  }
0x72: {  	_ =	shalt  }
0x73: {  	_ =	shalt  }
0x74: {  	_ =	shalt  }
0x75: {  	_ =	shalt  }
0x76: {  	_ =	shalt  }
0x77: {  	_ =	shalt  }
0x78: {  	_ =	shalt  }
0x79: {  	_ =	shalt  }
0x7a: {  	_ =	shalt  }
0x7b: {  	_ =	shalt  }
0x7c: {  	_ =	shalt  }
0x7d: {  	_ =	shalt  }
0x7e: {  	_ =	shalt  }
0x7f: {  	_ =	shalt  }
0x80: {  	_ =	shalt  }
0x81: {  	_ =	shalt  }
0x82: {  	_ =	shalt  }
0x83: {  	_ =	shalt  }
0x84: {  	_ =	shalt  }
0x85: {  	_ =	shalt  }
0x86: {  	_ =	shalt  }
0x87: {  	_ =	shalt  }
.Lfunc_end0:
.L_simem_size_0:
called_computation_lowered:
.L_overlay_start_0:
0x88: {  	s2 =	sld [smem:$0x3FD9]  }
0x89: {  	s3 =	sld [smem:$0x3FFE];
	_ =	sdelay $0x1  }
0x8a: {  	s1 =	srdreg.scid  }
0x8b: {  	s0 =	sand.u32 $0x1, s1  }
0x8c: {  	s15 =	sshll.u32 s0, $0xA;
	s2 =	sadd.s32 s3, s2  }
0x8d: {  	s2 =	sadd.s32 s2, s15  }
0x8e: {  	[smem:$0x3FC4] =	sst s2  }
0x8f: {  	_ = 	snop  }
0x90: {  	s2 =	sld [smem:$0x3FD0];
	_ =	sdelay $0x2  }
0x91: {  	s4 =	simm.s32 $0xA;
	s5 =	simm.s32 $0x10;
	s16 =	sld [smem:$0x3FC6]  }
0x92: {  	[smem:s5], [sflag:s4] =	dma.local [hbm:s2], $0x1  }
0x93: {  	_ =	swait.eq [sflag:s4], $0x1  }
0x94: {  	[sflag:s4] =	ssyncset.done $0x0  }
0x95: {  	s17 =	sld [smem:$0x10];
	[sflag:s4] =	ssyncadd.s32 $0xFFFFFFFF  }
0x96: {  	s18 =	sld [smem:$0x13];
	(tm) =	ssettm $0x1  }
0x97: {  	s19 =	sld [smem:$0x3FFB];
	_ =	sdelay $0x3  }
0x98: {  	_ =	strace s19  }
0x99: {  	s5 =	sld [smem:$0x3FFC];
	_ =	sdelay $0x3  }
0x9a: {  	_ =	strace s5  }
0x9b: {  	s5 =	sld [smem:$0x3FFD];
	_ =	sdelay $0x3  }
0x9c: {  	_ =	strace s5  }
0x9d: {  	_ =	strace $0x8FFFFFFF  }
0x9e: {  	s20 =	sld [smem:$0x3FDB];
	_ =	sdelay $0x1  }
0x9f: {  	s6 =	simm.s32 $_scs_section_size  }
0xa0: {  	s7 =	simm.s32 $_size__tile_overlayer_lowered;
	s8 =	simm.s32 $_tile_overlayer_lowered  }
0xa1: {  	s23 =	simm.s32 $0x1BFF;
	s22 =	sshll.u32 s8, $0x1;
	s5 =	sadd.s32 s6, s20  }
0xa2: {  	s9 =	simm.s32 $0x0;
	s21 =	sshll.u32 s7, $0x1;
	s7 =	sadd.s32 s22, s5  }
0xa3: {  	[timem:s9], [sflag:s23] =	dma.local [hbm:s7], s21  }
0xa4: {  	_ =	swait.ge [sflag:s23], s21  }
0xa5: {  	s6 =	ssub.s32 $0x0, s21;
	[sflag:s23] =	ssyncset.done $0x0  }
0xa6: {  	[sflag:s23] =	ssyncadd.s32 s6;
	_ =	sdelay $0x1  }
0xa7: {  	s24 =	simm.s32 $0x1B8B  }
0xa8: {  	_ =	swait.ge [sflag:s24], $0x1  }
0xa9: {  	[sflag:s24] =	ssyncset.done $0x0  }
0xaa: {  	s25 =	simm.s32 $0x1B8E;
	[sflag:s24] =	ssyncadd.s32 $0xFFFFFFFF  }
0xab: {  	s26 =	simm.s32 $execute0_lowered;
	[smem:$0x3FD2] =	sst s25  }
0xac: {  	s6 =	sshll.u32 s26, $0x1;
	_ =	strace $0x80000046;
	[dreg:$0x1] =	wrdreg $0xFFFFFFFF  }
0xad: {  	s28 =	simm.s32 $_size_execute0_lowered;
	s5 =	sadd.s32 s5, s6;
	[dreg:$0x0] =	wrdreg $0x0  }
0xae: {  	s6 =	sshll.u32 s28, $0x1;
	[dreg:$0x2] =	wrdreg s5  }
0xaf: {  	[dreg:$0x3] =	wrdreg s6  }
0xb0: {  	[dreg:$0x4] =	wrdreg $0xC0  }
0xb1: {  	_ =	task [dreg:s9], $0x5FFFF  }
0xb2: {  	[dreg:$0x1] =	wrdreg $0xFFFFFFFF  }
0xb3: {  	[dreg:$0x0] =	wrdreg $0x60  }
0xb4: {  	[dreg:$0x2] =	wrdreg s18  }
0xb5: {  	[dreg:$0x3] =	wrdreg s16  }
0xb6: {  	[dreg:$0x4] =	wrdreg s17  }
0xb7: {  	[dreg:$0x5] =	wrdreg $0x9  }
0xb8: {  	_ =	task.clear_ibuf [dreg:s9], $0x6FFFF;
	_ =	strace $0x90000046  }
0xb9: {  	s29 =	simm.s32 $0x9;
	_ =	strace $0x80000048  }
0xba: {  	_ =	swait.ge [sflag:s29], $0x1  }
0xbb: {  	[sflag:s29] =	ssyncadd.s32 $0xFFFFFFFF  }
0xbc: {  	_ =	strace $0x90000048  }
0xbd: {  	_ =	sfence  }
0xbe: {  	s30 =	sld [smem:$0x0];
	_ =	sdelay $0x2  }
0xbf: {  	s31 =	sshll.u32 s1, $0xD;
	s1 =	sshrl.u32 s1, $0x2  }
0xc0: {  	s3 =	sand.u32 $0x4000, s31;
	s1 =	sadd.s32 s1, s30  }
0xc1: {  	s0 =	sor.u32 s3, s0;
	s1 =	sshll.u32 s1, $0x11  }
0xc2: {  	s0 =	sor.u32 s1, s0  }
0xc3: {  	s0 =	sadd.s32 $0x8F2B, s0  }
0xc4: {  	[sflag:s0] =	ssyncadd.remote.s32 $0x1  }
0xc5: {  	_ =	sfence.sel $0xFFFF  }
0xc6: {  	[dreg:$0x0] =	wrdreg $0xFFFFFFFF;
	(pc) =	sbr.abs _section_cstart, $3  }
0xc7: {  	[dreg:$0x1] =	wrdreg $0xFFFFFFFF  }
0xc8: {  	_ =	task.clear_ibuf [dreg:s9], $0x2FFFF;
	_ =	strace $0x9FFFFFFF  }
0xc9: {  	(tm) =	ssettm $0x7FFFFFFF  }
tec
execute0_lowered:
.L_overlay_start_1:
0x0: {  	(tag) =	ssettag $0x1  }
0x1: {  	s0 =	rddreg [dreg:$0x0]  }
0x2: {  	s2 =	rddreg [dreg:$0x1]  }
0x3: {  	s1 =	rddreg [dreg:$0x2]  }
0x4: {  	s4 =	srdreg.scid;
	s13 =	stileid.u32;
	s3 =	simm.s32 $0x0  }
0x5: {  	s18 =	simm.s32 $0x5;
	s28 =	simm.s32 $0x200;
	s20 =	simm.s32 $0x1200  }
0x6: {  	s29 =	simm.s32 $0x3A00;
	s19 =	simm.s32 $0x4A00;
	s30 =	simm.s32 $0x6200  }
0x7: {  	s31 =	simm.s32 $0x6A00;
	s16 =	simm.s32 $0x4;
	s17 =	simm.s32 $0x0  }
0x8: {  	s4 =	sand.u32 $0x1, s4;
	s5 =	sshll.u32 s13, $0x1;
	[smem:$0x7FF] =	sst s3  }
0x9: {  	s8 =	sadd.s32 $0x400, s2;
	s9 =	sadd.s32 $0x500, s2;
	s10 =	sadd.s32 $0x600, s2  }
0xa: {  	s13 =	sshll.u32 s13, $0x12;
	s6 =	ssub.s32 $0x2, s4;
	s11 =	sor.u32 s4, s5  }
0xb: {  	_ =	strace $0x80000047;
	s5 =	sadd.s32 $0x100, s2;
	s4 =	sshll.u32 s4, $0x11  }
0xc: {  	[dreg:$0xd] =	wrdreg s17;
	s21 =	sshrl.u32 s6, $0x1;
	s7 =	sshll.u32 s11, $0x6  }
0xd: {  	s22 =	sshll.u32 s11, $0x11;
	s11 =	sadd.s32 $0x700, s2;
	s23 =	sor.u32 s4, s13  }
0xe: {  	s12 =	ssub.s32 s6, s21;
	s0 =	sadd.s32 s0, s7;
	s6 =	sadd.s32 $0x200, s2  }
0xf: {  	[dreg:$0x6] =	wrdreg s0;
	s0 =	sadd.s32 s22, s1;
	s12 =	smax.u32 s12, $0x1  }
0x10: {  	s7 =	sadd.s32 $0x300, s2;
	s14 =	sadd.s32 $0x1E000, s0;
	[dreg:$0xb] =	wrdreg s12  }
0x11: {  	s21 =	simm.s32 $0x1A00;
	s15 =	sadd.s32 $0x1E800, s0;
	[dreg:$0x7] =	wrdreg s14  }
0x12: {  	s22 =	simm.s32 $0xA00;
	s24 =	sadd.s32 $0x1F000, s0;
	[dreg:$0x8] =	wrdreg s15  }
0x13: {  	s0 =	sadd.s32 $0x1F800, s0;
	s12 =	simm.s32 $0x2;
	[dreg:$0x9] =	wrdreg s24  }
0x14: {  	s14 =	sadd.s32 s23, s1;
	[dreg:$0xa] =	wrdreg s0;
	s1 =	sadd.s32 s13, s1  }
0x15: {  	s23 =	simm.s32 $0x2200;
	s0 =	simm.s32 $0x4200;
	s15 =	simm.s32 $0x5A00  }
0x16: {  	s13 =	simm.s32 $0x8200;
	s24 =	simm.s32 $0xC200;
	[dreg:$0xc] =	wrdreg s14  }
0x17: {  	v0 =	vlaneseq.u32;
	s25 =	sadd.s32 $0x1000, s14;
	s26 =	sadd.s32 s4, s1;
	s1 =	simm.s32 $0x5200  }
0x18: {  	v1 =	vshrl.u32 v0, $0x3;
	s4 =	simm.s32 $0x1;
	s14 =	simm.s32 $0x3;
	[dreg:$0x4] =	wrdreg s25  }
0x19: {  	vm0 =	vmmov $0xffff;
	v0 =	vand.u32 $0x7, v0;
	v1 =	vmul.u32 $0x8, v1;
	[dreg:$0x5] =	wrdreg s26;
	s25 =	simm.s32 $0x2A00;
	s26 =	simm.s32 $0x3200  }
.LBB2_1:
0x1a: {  	s17 =	rddreg [dreg:$0x6]  }
0x1b: {  	[tilespmem:s3], [sflag:$0x5] =	stream.linear.gather [hbm4b:s17+s3], $0x200, $0x38;
	[tilespmem:$0x10200] =	vst v63  }
0x1c: {  	_ =	swait.ge [sflag:s18], $0x200  }
0x1d: {  	[sflag:s18] =	ssyncset.done $0x0  }
0x1e: {  	[sflag:s18] =	ssyncadd.s32 $0xFFFFFE00  }
0x1f: {  	v2 =	vld.msk [tilespmem:$0x0], $0xff;
	_ =	sdelay $0x4  }
0x20: {  	v3 =	vshll.u32 v2, $0x4  }
0x21: {  	v2 =	vand.u32 $0x7, v2;
	v3 =	vand.u32 $0xFFFFFF80, v3  }
0x22: {  	v2 =	vor.u32 v2, v3  }
0x23: {  	v2 =	vperm.xlane v2, v0;
	_ =	sdelay $0x1  }
0x24: {  	v2 =	vadd.s32 v1, v2;
	_ =	sdelay $0x4  }
0x25: {  	[tilespmem:s28], [sflag:$0x1] =	stream.indirect_vreg.gather [hbm4b:s2+s3], $0x80, v2, vm0, $0xb8;
	[tilespmem:$0x10200] =	vst v63  }
0x26: {  	_ = 	snop  }
0x27: {  	[tilespmem:s22], [sflag:$0x1] =	stream.indirect_vreg.gather [hbm4b:s5+s3], $0x80, v2, vm0, $0xb8;
	[tilespmem:$0x10200] =	vst v63  }
0x28: {  	_ = 	snop  }
0x29: {  	[tilespmem:s20], [sflag:$0x1] =	stream.indirect_vreg.gather [hbm4b:s6+s3], $0x80, v2, vm0, $0xb8;
	[tilespmem:$0x10200] =	vst v63  }
0x2a: {  	_ = 	snop  }
0x2b: {  	[tilespmem:s21], [sflag:$0x1] =	stream.indirect_vreg.gather [hbm4b:s7+s3], $0x80, v2, vm0, $0xb8;
	[tilespmem:$0x10200] =	vst v63  }
0x2c: {  	_ = 	snop  }
0x2d: {  	[tilespmem:s23], [sflag:$0x1] =	stream.indirect_vreg.gather [hbm4b:s8+s3], $0x80, v2, vm0, $0xb8;
	[tilespmem:$0x10200] =	vst v63  }
0x2e: {  	_ = 	snop  }
0x2f: {  	[tilespmem:s25], [sflag:$0x1] =	stream.indirect_vreg.gather [hbm4b:s9+s3], $0x80, v2, vm0, $0xb8;
	[tilespmem:$0x10200] =	vst v63  }
0x30: {  	_ = 	snop  }
0x31: {  	[tilespmem:s26], [sflag:$0x1] =	stream.indirect_vreg.gather [hbm4b:s10+s3], $0x80, v2, vm0, $0xb8;
	[tilespmem:$0x10200] =	vst v63  }
0x32: {  	_ = 	snop  }
0x33: {  	[tilespmem:s29], [sflag:$0x1] =	stream.indirect_vreg.gather [hbm4b:s11+s3], $0x80, v2, vm0, $0xb8;
	[tilespmem:$0x10200] =	vst v63  }
0x34: {  	v2 =	vld.msk [tilespmem:$0x8], $0xff;
	_ =	sdelay $0x4  }
0x35: {  	v3 =	vshll.u32 v2, $0x4  }
0x36: {  	v2 =	vand.u32 $0x7, v2;
	v3 =	vand.u32 $0xFFFFFF80, v3  }
0x37: {  	v2 =	vor.u32 v2, v3  }
0x38: {  	v2 =	vperm.xlane v2, v0;
	_ =	sdelay $0x1  }
0x39: {  	v2 =	vadd.s32 v1, v2;
	_ =	sdelay $0x4  }
0x3a: {  	[tilespmem:s0], [sflag:$0x2] =	stream.indirect_vreg.gather [hbm4b:s2+s3], $0x80, v2, vm0, $0xb8;
	[tilespmem:$0x10200] =	vst v63  }
0x3b: {  	_ = 	snop  }
0x3c: {  	[tilespmem:s19], [sflag:$0x2] =	stream.indirect_vreg.gather [hbm4b:s5+s3], $0x80, v2, vm0, $0xb8;
	[tilespmem:$0x10200] =	vst v63  }
0x3d: {  	_ = 	snop  }
0x3e: {  	[tilespmem:s1], [sflag:$0x2] =	stream.indirect_vreg.gather [hbm4b:s6+s3], $0x80, v2, vm0, $0xb8;
	[tilespmem:$0x10200] =	vst v63  }
0x3f: {  	_ = 	snop  }
0x40: {  	[tilespmem:s15], [sflag:$0x2] =	stream.indirect_vreg.gather [hbm4b:s7+s3], $0x80, v2, vm0, $0xb8;
	[tilespmem:$0x10200] =	vst v63  }
0x41: {  	_ = 	snop  }
0x42: {  	[tilespmem:s30], [sflag:$0x2] =	stream.indirect_vreg.gather [hbm4b:s8+s3], $0x80, v2, vm0, $0xb8;
	[tilespmem:$0x10200] =	vst v63  }
0x43: {  	_ = 	snop  }
0x44: {  	[tilespmem:s31], [sflag:$0x2] =	stream.indirect_vreg.gather [hbm4b:s9+s3], $0x80, v2, vm0, $0xb8;
	[tilespmem:$0x10200] =	vst v63  }
0x45: {  	s23 =	simm.s32 $0x7200  }
0x46: {  	[tilespmem:s23], [sflag:$0x2] =	stream.indirect_vreg.gather [hbm4b:s10+s3], $0x80, v2, vm0, $0xb8;
	[tilespmem:$0x10200] =	vst v63  }
0x47: {  	s25 =	simm.s32 $0x7A00  }
0x48: {  	[tilespmem:s25], [sflag:$0x2] =	stream.indirect_vreg.gather [hbm4b:s11+s3], $0x80, v2, vm0, $0xb8;
	[tilespmem:$0x10200] =	vst v63  }
0x49: {  	v2 =	vld.msk [tilespmem:$0x10], $0xff;
	_ =	sdelay $0x4  }
0x4a: {  	v3 =	vshll.u32 v2, $0x4  }
0x4b: {  	v2 =	vand.u32 $0x7, v2;
	v3 =	vand.u32 $0xFFFFFF80, v3  }
0x4c: {  	v2 =	vor.u32 v2, v3  }
0x4d: {  	v2 =	vperm.xlane v2, v0;
	_ =	sdelay $0x1  }
0x4e: {  	v2 =	vadd.s32 v1, v2;
	_ =	sdelay $0x4  }
0x4f: {  	[tilespmem:s13], [sflag:$0x3] =	stream.indirect_vreg.gather [hbm4b:s2+s3], $0x80, v2, vm0, $0xb8;
	[tilespmem:$0x10200] =	vst v63  }
0x50: {  	s26 =	simm.s32 $0x8A00  }
0x51: {  	[tilespmem:s26], [sflag:$0x3] =	stream.indirect_vreg.gather [hbm4b:s5+s3], $0x80, v2, vm0, $0xb8;
	[tilespmem:$0x10200] =	vst v63  }
0x52: {  	s28 =	simm.s32 $0x9200  }
0x53: {  	[tilespmem:s28], [sflag:$0x3] =	stream.indirect_vreg.gather [hbm4b:s6+s3], $0x80, v2, vm0, $0xb8;
	[tilespmem:$0x10200] =	vst v63  }
0x54: {  	s1 =	simm.s32 $0x9A00  }
0x55: {  	[tilespmem:s1], [sflag:$0x3] =	stream.indirect_vreg.gather [hbm4b:s7+s3], $0x80, v2, vm0, $0xb8;
	[tilespmem:$0x10200] =	vst v63  }
0x56: {  	s15 =	simm.s32 $0xA200  }
0x57: {  	[tilespmem:s15], [sflag:$0x3] =	stream.indirect_vreg.gather [hbm4b:s8+s3], $0x80, v2, vm0, $0xb8;
	[tilespmem:$0x10200] =	vst v63  }
0x58: {  	s17 =	simm.s32 $0xAA00  }
0x59: {  	[tilespmem:s17], [sflag:$0x3] =	stream.indirect_vreg.gather [hbm4b:s9+s3], $0x80, v2, vm0, $0xb8;
	[tilespmem:$0x10200] =	vst v63  }
0x5a: {  	s19 =	simm.s32 $0xB200  }
0x5b: {  	[tilespmem:s19], [sflag:$0x3] =	stream.indirect_vreg.gather [hbm4b:s10+s3], $0x80, v2, vm0, $0xb8;
	[tilespmem:$0x10200] =	vst v63  }
0x5c: {  	s20 =	simm.s32 $0xBA00  }
0x5d: {  	[tilespmem:s20], [sflag:$0x3] =	stream.indirect_vreg.gather [hbm4b:s11+s3], $0x80, v2, vm0, $0xb8;
	[tilespmem:$0x10200] =	vst v63  }
0x5e: {  	v2 =	vld.msk [tilespmem:$0x18], $0xff;
	_ =	sdelay $0x4  }
0x5f: {  	v3 =	vshll.u32 v2, $0x4  }
0x60: {  	v2 =	vand.u32 $0x7, v2;
	v3 =	vand.u32 $0xFFFFFF80, v3  }
0x61: {  	v2 =	vor.u32 v2, v3  }
0x62: {  	v2 =	vperm.xlane v2, v0;
	_ =	sdelay $0x1  }
0x63: {  	v2 =	vadd.s32 v1, v2;
	_ =	sdelay $0x4  }
0x64: {  	[tilespmem:s24], [sflag:$0x4] =	stream.indirect_vreg.gather [hbm4b:s2+s3], $0x80, v2, vm0, $0xb8;
	[tilespmem:$0x10200] =	vst v63  }
0x65: {  	s21 =	simm.s32 $0xCA00  }
0x66: {  	[tilespmem:s21], [sflag:$0x4] =	stream.indirect_vreg.gather [hbm4b:s5+s3], $0x80, v2, vm0, $0xb8;
	[tilespmem:$0x10200] =	vst v63  }
0x67: {  	s23 =	simm.s32 $0xD200  }
0x68: {  	[tilespmem:s23], [sflag:$0x4] =	stream.indirect_vreg.gather [hbm4b:s6+s3], $0x80, v2, vm0, $0xb8;
	[tilespmem:$0x10200] =	vst v63  }
0x69: {  	s25 =	simm.s32 $0xDA00  }
0x6a: {  	[tilespmem:s25], [sflag:$0x4] =	stream.indirect_vreg.gather [hbm4b:s7+s3], $0x80, v2, vm0, $0xb8;
	[tilespmem:$0x10200] =	vst v63  }
0x6b: {  	s29 =	simm.s32 $0x2A00;
	s30 =	simm.s32 $0x6A00;
	s26 =	simm.s32 $0xE200  }
0x6c: {  	[tilespmem:s26], [sflag:$0x4] =	stream.indirect_vreg.gather [hbm4b:s8+s3], $0x80, v2, vm0, $0xb8;
	[tilespmem:$0x10200] =	vst v63  }
0x6d: {  	s31 =	simm.s32 $0x3A00;
	s28 =	simm.s32 $0xEA00;
	s1 =	simm.s32 $0xF200  }
0x6e: {  	[tilespmem:s28], [sflag:$0x4] =	stream.indirect_vreg.gather [hbm4b:s9+s3], $0x80, v2, vm0, $0xb8;
	[tilespmem:$0x10200] =	vst v63  }
0x6f: {  	s15 =	simm.s32 $0xFA00;
	s17 =	simm.s32 $0x38;
	s19 =	rddreg [dreg:$0xc]  }
0x70: {  	[tilespmem:s1], [sflag:$0x4] =	stream.indirect_vreg.gather [hbm4b:s10+s3], $0x80, v2, vm0, $0xb8;
	[tilespmem:$0x10200] =	vst v63  }
0x71: {  	s20 =	simm.s32 $0x0;
	s23 =	simm.s32 $0x6200;
	s25 =	simm.s32 $0x1A00  }
0x72: {  	[tilespmem:s15], [sflag:$0x4] =	stream.indirect_vreg.gather [hbm4b:s11+s3], $0x80, v2, vm0, $0xb8;
	[tilespmem:$0x10200] =	vst v63  }
.LBB2_2:
0x73: {  	_ =	swait.ge [sflag:s4], $0x4000  }
0x74: {  	s21 =	rddreg [dreg:$0x5];
	[sflag:s4] =	ssyncset.done $0x0  }
0x75: {  	s0 =	simm.s32 $0x200;
	[sflag:s4] =	ssyncadd.s32 $0xFFFFC000;
	s21 =	sadd.s32 s20, s21  }
0x76: {  	[hbm4b:s21+s3] =	stream.linear.scatter [tilespmem:s0], [sflag:$0x5], $0x4000, $0x38;
	[tilespmem:$0x10200] =	vst v63  }
0x77: {  	_ =	swait.ge [sflag:s18], $0x4000  }
0x78: {  	[sflag:s18] =	ssyncset.done $0x0  }
0x79: {  	[sflag:s18] =	ssyncadd.s32 $0xFFFFC000  }
0x7a: {  	v2 =	vld.msk [tilespmem:s17+$0xFFFFFFE8], $0xff;
	_ =	sdelay $0x4  }
0x7b: {  	v3 =	vshll.u32 v2, $0x4  }
0x7c: {  	v2 =	vand.u32 $0x7, v2;
	v3 =	vand.u32 $0xFFFFFF80, v3  }
0x7d: {  	v2 =	vor.u32 v2, v3  }
0x7e: {  	v2 =	vperm.xlane v2, v0;
	_ =	sdelay $0x1  }
0x7f: {  	v2 =	vadd.s32 v1, v2;
	_ =	sdelay $0x4  }
0x80: {  	[tilespmem:s0], [sflag:$0x1] =	stream.indirect_vreg.gather [hbm4b:s2+s3], $0x80, v2, vm0, $0xb8;
	[tilespmem:$0x10200] =	vst v63  }
0x81: {  	_ = 	snop  }
0x82: {  	[tilespmem:s22], [sflag:$0x1] =	stream.indirect_vreg.gather [hbm4b:s5+s3], $0x80, v2, vm0, $0xb8;
	[tilespmem:$0x10200] =	vst v63  }
0x83: {  	s21 =	simm.s32 $0x1200  }
0x84: {  	[tilespmem:s21], [sflag:$0x1] =	stream.indirect_vreg.gather [hbm4b:s6+s3], $0x80, v2, vm0, $0xb8;
	[tilespmem:$0x10200] =	vst v63  }
0x85: {  	_ = 	snop  }
0x86: {  	[tilespmem:s25], [sflag:$0x1] =	stream.indirect_vreg.gather [hbm4b:s7+s3], $0x80, v2, vm0, $0xb8;
	[tilespmem:$0x10200] =	vst v63  }
0x87: {  	s22 =	simm.s32 $0x2200  }
0x88: {  	[tilespmem:s22], [sflag:$0x1] =	stream.indirect_vreg.gather [hbm4b:s8+s3], $0x80, v2, vm0, $0xb8;
	[tilespmem:$0x10200] =	vst v63  }
0x89: {  	_ = 	snop  }
0x8a: {  	[tilespmem:s29], [sflag:$0x1] =	stream.indirect_vreg.gather [hbm4b:s9+s3], $0x80, v2, vm0, $0xb8;
	[tilespmem:$0x10200] =	vst v63  }
0x8b: {  	s26 =	simm.s32 $0x3200  }
0x8c: {  	[tilespmem:s26], [sflag:$0x1] =	stream.indirect_vreg.gather [hbm4b:s10+s3], $0x80, v2, vm0, $0xb8;
	[tilespmem:$0x10200] =	vst v63  }
0x8d: {  	_ = 	snop  }
0x8e: {  	[tilespmem:s31], [sflag:$0x1] =	stream.indirect_vreg.gather [hbm4b:s11+s3], $0x80, v2, vm0, $0xb8;
	[tilespmem:$0x10200] =	vst v63  }
0x8f: {  	_ =	swait.ge [sflag:s12], $0x4000  }
0x90: {  	s21 =	sadd.s32 s20, s19;
	[sflag:s12] =	ssyncset.done $0x0  }
0x91: {  	s0 =	sadd.s32 $0x800, s21;
	s26 =	simm.s32 $0x4200;
	[sflag:s12] =	ssyncadd.s32 $0xFFFFC000  }
0x92: {  	[hbm4b:s0+s3] =	stream.linear.scatter [tilespmem:s26], [sflag:$0x5], $0x4000, $0x38;
	[tilespmem:$0x10200] =	vst v63  }
0x93: {  	_ =	swait.ge [sflag:s18], $0x4000  }
0x94: {  	[sflag:s18] =	ssyncset.done $0x0  }
0x95: {  	[sflag:s18] =	ssyncadd.s32 $0xFFFFC000  }
0x96: {  	v2 =	vld.msk [tilespmem:s17+$0xFFFFFFF0], $0xff;
	_ =	sdelay $0x4  }
0x97: {  	v3 =	vshll.u32 v2, $0x4  }
0x98: {  	v2 =	vand.u32 $0x7, v2;
	v3 =	vand.u32 $0xFFFFFF80, v3  }
0x99: {  	v2 =	vor.u32 v2, v3  }
0x9a: {  	v2 =	vperm.xlane v2, v0;
	_ =	sdelay $0x1  }
0x9b: {  	v2 =	vadd.s32 v1, v2;
	_ =	sdelay $0x4  }
0x9c: {  	[tilespmem:s26], [sflag:$0x2] =	stream.indirect_vreg.gather [hbm4b:s2+s3], $0x80, v2, vm0, $0xb8;
	[tilespmem:$0x10200] =	vst v63  }
0x9d: {  	s26 =	simm.s32 $0x4A00  }
0x9e: {  	[tilespmem:s26], [sflag:$0x2] =	stream.indirect_vreg.gather [hbm4b:s5+s3], $0x80, v2, vm0, $0xb8;
	[tilespmem:$0x10200] =	vst v63  }
0x9f: {  	s26 =	simm.s32 $0x5200  }
0xa0: {  	[tilespmem:s26], [sflag:$0x2] =	stream.indirect_vreg.gather [hbm4b:s6+s3], $0x80, v2, vm0, $0xb8;
	[tilespmem:$0x10200] =	vst v63  }
0xa1: {  	s26 =	simm.s32 $0x5A00  }
0xa2: {  	[tilespmem:s26], [sflag:$0x2] =	stream.indirect_vreg.gather [hbm4b:s7+s3], $0x80, v2, vm0, $0xb8;
	[tilespmem:$0x10200] =	vst v63  }
0xa3: {  	_ = 	snop  }
0xa4: {  	[tilespmem:s23], [sflag:$0x2] =	stream.indirect_vreg.gather [hbm4b:s8+s3], $0x80, v2, vm0, $0xb8;
	[tilespmem:$0x10200] =	vst v63  }
0xa5: {  	_ = 	snop  }
0xa6: {  	[tilespmem:s30], [sflag:$0x2] =	stream.indirect_vreg.gather [hbm4b:s9+s3], $0x80, v2, vm0, $0xb8;
	[tilespmem:$0x10200] =	vst v63  }
0xa7: {  	s26 =	simm.s32 $0x7200  }
0xa8: {  	[tilespmem:s26], [sflag:$0x2] =	stream.indirect_vreg.gather [hbm4b:s10+s3], $0x80, v2, vm0, $0xb8;
	[tilespmem:$0x10200] =	vst v63  }
0xa9: {  	s26 =	simm.s32 $0x7A00  }
0xaa: {  	[tilespmem:s26], [sflag:$0x2] =	stream.indirect_vreg.gather [hbm4b:s11+s3], $0x80, v2, vm0, $0xb8;
	[tilespmem:$0x10200] =	vst v63  }
0xab: {  	_ =	swait.ge [sflag:s14], $0x4000  }
0xac: {  	s26 =	rddreg [dreg:$0x4];
	[sflag:s14] =	ssyncset.done $0x0  }
0xad: {  	[sflag:s14] =	ssyncadd.s32 $0xFFFFC000;
	s22 =	sadd.s32 s20, s26  }
0xae: {  	[hbm4b:s22+s3] =	stream.linear.scatter [tilespmem:s13], [sflag:$0x5], $0x4000, $0x38;
	[tilespmem:$0x10200] =	vst v63  }
0xaf: {  	_ =	swait.ge [sflag:s18], $0x4000  }
0xb0: {  	[sflag:s18] =	ssyncset.done $0x0  }
0xb1: {  	[sflag:s18] =	ssyncadd.s32 $0xFFFFC000  }
0xb2: {  	v2 =	vld.msk [tilespmem:s17+$0xFFFFFFF8], $0xff;
	_ =	sdelay $0x4  }
0xb3: {  	v3 =	vshll.u32 v2, $0x4  }
0xb4: {  	v2 =	vand.u32 $0x7, v2;
	v3 =	vand.u32 $0xFFFFFF80, v3  }
0xb5: {  	v2 =	vor.u32 v2, v3  }
0xb6: {  	v2 =	vperm.xlane v2, v0;
	_ =	sdelay $0x1  }
0xb7: {  	v2 =	vadd.s32 v1, v2;
	_ =	sdelay $0x4  }
0xb8: {  	[tilespmem:s13], [sflag:$0x3] =	stream.indirect_vreg.gather [hbm4b:s2+s3], $0x80, v2, vm0, $0xb8;
	[tilespmem:$0x10200] =	vst v63  }
0xb9: {  	s26 =	simm.s32 $0x8A00  }
0xba: {  	[tilespmem:s26], [sflag:$0x3] =	stream.indirect_vreg.gather [hbm4b:s5+s3], $0x80, v2, vm0, $0xb8;
	[tilespmem:$0x10200] =	vst v63  }
0xbb: {  	s26 =	simm.s32 $0x9200  }
0xbc: {  	[tilespmem:s26], [sflag:$0x3] =	stream.indirect_vreg.gather [hbm4b:s6+s3], $0x80, v2, vm0, $0xb8;
	[tilespmem:$0x10200] =	vst v63  }
0xbd: {  	s26 =	simm.s32 $0x9A00  }
0xbe: {  	[tilespmem:s26], [sflag:$0x3] =	stream.indirect_vreg.gather [hbm4b:s7+s3], $0x80, v2, vm0, $0xb8;
	[tilespmem:$0x10200] =	vst v63  }
0xbf: {  	s26 =	simm.s32 $0xA200  }
0xc0: {  	[tilespmem:s26], [sflag:$0x3] =	stream.indirect_vreg.gather [hbm4b:s8+s3], $0x80, v2, vm0, $0xb8;
	[tilespmem:$0x10200] =	vst v63  }
0xc1: {  	s26 =	simm.s32 $0xAA00  }
0xc2: {  	[tilespmem:s26], [sflag:$0x3] =	stream.indirect_vreg.gather [hbm4b:s9+s3], $0x80, v2, vm0, $0xb8;
	[tilespmem:$0x10200] =	vst v63  }
0xc3: {  	s26 =	simm.s32 $0xB200  }
0xc4: {  	[tilespmem:s26], [sflag:$0x3] =	stream.indirect_vreg.gather [hbm4b:s10+s3], $0x80, v2, vm0, $0xb8;
	[tilespmem:$0x10200] =	vst v63  }
0xc5: {  	s26 =	simm.s32 $0xBA00  }
0xc6: {  	[tilespmem:s26], [sflag:$0x3] =	stream.indirect_vreg.gather [hbm4b:s11+s3], $0x80, v2, vm0, $0xb8;
	[tilespmem:$0x10200] =	vst v63  }
0xc7: {  	_ =	swait.ge [sflag:s16], $0x4000  }
0xc8: {  	[sflag:s16] =	ssyncset.done $0x0  }
0xc9: {  	s21 =	sadd.s32 $0x1800, s21;
	[sflag:s16] =	ssyncadd.s32 $0xFFFFC000  }
0xca: {  	[hbm4b:s21+s3] =	stream.linear.scatter [tilespmem:s24], [sflag:$0x5], $0x4000, $0x38;
	[tilespmem:$0x10200] =	vst v63  }
0xcb: {  	_ =	swait.ge [sflag:s18], $0x4000  }
0xcc: {  	[sflag:s18] =	ssyncset.done $0x0  }
0xcd: {  	[sflag:s18] =	ssyncadd.s32 $0xFFFFC000  }
0xce: {  	v2 =	vld.msk [tilespmem:s17+$0x0], $0xff;
	_ =	sdelay $0x4  }
0xcf: {  	v3 =	vshll.u32 v2, $0x4  }
0xd0: {  	v2 =	vand.u32 $0x7, v2;
	v3 =	vand.u32 $0xFFFFFF80, v3  }
0xd1: {  	v2 =	vor.u32 v2, v3  }
0xd2: {  	v2 =	vperm.xlane v2, v0;
	_ =	sdelay $0x1  }
0xd3: {  	v2 =	vadd.s32 v1, v2;
	_ =	sdelay $0x4  }
0xd4: {  	[tilespmem:s24], [sflag:$0x4] =	stream.indirect_vreg.gather [hbm4b:s2+s3], $0x80, v2, vm0, $0xb8;
	[tilespmem:$0x10200] =	vst v63  }
0xd5: {  	s26 =	simm.s32 $0xCA00  }
0xd6: {  	[tilespmem:s26], [sflag:$0x4] =	stream.indirect_vreg.gather [hbm4b:s5+s3], $0x80, v2, vm0, $0xb8;
	[tilespmem:$0x10200] =	vst v63  }
0xd7: {  	s26 =	simm.s32 $0xD200  }
0xd8: {  	[tilespmem:s26], [sflag:$0x4] =	stream.indirect_vreg.gather [hbm4b:s6+s3], $0x80, v2, vm0, $0xb8;
	[tilespmem:$0x10200] =	vst v63  }
0xd9: {  	s26 =	simm.s32 $0xDA00  }
0xda: {  	[tilespmem:s26], [sflag:$0x4] =	stream.indirect_vreg.gather [hbm4b:s7+s3], $0x80, v2, vm0, $0xb8;
	[tilespmem:$0x10200] =	vst v63  }
0xdb: {  	s26 =	simm.s32 $0xE200  }
0xdc: {  	[tilespmem:s26], [sflag:$0x4] =	stream.indirect_vreg.gather [hbm4b:s8+s3], $0x80, v2, vm0, $0xb8;
	[tilespmem:$0x10200] =	vst v63  }
0xdd: {  	p0 =	sne.s32 s20, $0x1C000;
	s26 =	simm.s32 $0xEA00  }
0xde: {  	[tilespmem:s26], [sflag:$0x4] =	stream.indirect_vreg.gather [hbm4b:s9+s3], $0x80, v2, vm0, $0xb8;
	[tilespmem:$0x10200] =	vst v63  }
.Ltmp0:
0xdf: {  	_ = 	snop;
	(pc) =	sbr.rel @p0 .LBB2_2-.Ltmp0, $4  }
0xe0: {  	s28 =	simm.s32 $0x200;
	s0 =	simm.s32 $0x4200  }
0xe1: {  	[tilespmem:s1], [sflag:$0x4] =	stream.indirect_vreg.gather [hbm4b:s10+s3], $0x80, v2, vm0, $0xb8;
	[tilespmem:$0x10200] =	vst v63  }
0xe2: {  	s20 =	sadd.s32 $0x2000, s20;
	s22 =	simm.s32 $0xA00;
	s17 =	sadd.s32 $0x20, s17  }
0xe3: {  	[tilespmem:s15], [sflag:$0x4] =	stream.indirect_vreg.gather [hbm4b:s11+s3], $0x80, v2, vm0, $0xb8;
	[tilespmem:$0x10200] =	vst v63  }
0xe4: {  	_ =	swait.ge [sflag:s4], $0x4000  }
0xe5: {  	[sflag:s4] =	ssyncset.done $0x0  }
0xe6: {  	s17 =	rddreg [dreg:$0x7];
	[sflag:s4] =	ssyncadd.s32 $0xFFFFC000  }
0xe7: {  	[hbm4b:s17+s3] =	stream.linear.scatter [tilespmem:s28], [sflag:$0x5], $0x4000, $0x38;
	[tilespmem:$0x10200] =	vst v63  }
0xe8: {  	_ =	swait.ge [sflag:s18], $0x4000  }
0xe9: {  	[sflag:s18] =	ssyncset.done $0x0  }
0xea: {  	[sflag:s18] =	ssyncadd.s32 $0xFFFFC000  }
0xeb: {  	_ =	swait.ge [sflag:s12], $0x4000  }
0xec: {  	[sflag:s12] =	ssyncset.done $0x0  }
0xed: {  	s21 =	rddreg [dreg:$0x8];
	[sflag:s12] =	ssyncadd.s32 $0xFFFFC000  }
0xee: {  	[hbm4b:s21+s3] =	stream.linear.scatter [tilespmem:s0], [sflag:$0x5], $0x4000, $0x38;
	[tilespmem:$0x10200] =	vst v63  }
0xef: {  	_ =	swait.ge [sflag:s18], $0x4000  }
0xf0: {  	[sflag:s18] =	ssyncset.done $0x0  }
0xf1: {  	[sflag:s18] =	ssyncadd.s32 $0xFFFFC000  }
0xf2: {  	_ =	swait.ge [sflag:s14], $0x4000  }
0xf3: {  	[sflag:s14] =	ssyncset.done $0x0  }
0xf4: {  	s23 =	rddreg [dreg:$0x9];
	[sflag:s14] =	ssyncadd.s32 $0xFFFFC000  }
0xf5: {  	[hbm4b:s23+s3] =	stream.linear.scatter [tilespmem:s13], [sflag:$0x5], $0x4000, $0x38;
	[tilespmem:$0x10200] =	vst v63  }
0xf6: {  	_ =	swait.ge [sflag:s18], $0x4000  }
0xf7: {  	[sflag:s18] =	ssyncset.done $0x0  }
0xf8: {  	[sflag:s18] =	ssyncadd.s32 $0xFFFFC000  }
0xf9: {  	_ =	swait.ge [sflag:s16], $0x4000  }
0xfa: {  	[sflag:s16] =	ssyncset.done $0x0  }
0xfb: {  	s25 =	rddreg [dreg:$0xa];
	[sflag:s16] =	ssyncadd.s32 $0xFFFFC000  }
0xfc: {  	[hbm4b:s25+s3] =	stream.linear.scatter [tilespmem:s24], [sflag:$0x5], $0x4000, $0x38;
	[tilespmem:$0x10200] =	vst v63  }
0xfd: {  	_ =	swait.ge [sflag:s18], $0x4000  }
0xfe: {  	s1 =	rddreg [dreg:$0xd]  }
0xff: {  	s26 =	rddreg [dreg:$0xb];
	s1 =	sadd.s32 $0x1, s1  }
0x100: {  	p0 =	sne.s32 s1, s26  }
.Ltmp1:
0x101: {  	s20 =	simm.s32 $0x1200;
	s29 =	simm.s32 $0x3A00;
	(pc) =	sbr.rel @p0 .LBB2_1-.Ltmp1, $4  }
0x102: {  	s19 =	simm.s32 $0x4A00;
	s15 =	simm.s32 $0x5A00;
	s30 =	simm.s32 $0x6200  }
0x103: {  	s31 =	simm.s32 $0x6A00;
	s21 =	simm.s32 $0x1A00;
	[sflag:s18] =	ssyncset.done $0x0  }
0x104: {  	s23 =	simm.s32 $0x2200;
	s25 =	simm.s32 $0x2A00;
	[sflag:s18] =	ssyncadd.s32 $0xFFFFC000  }
0x105: {  	[dreg:$0xd] =	wrdreg s1;
	s26 =	simm.s32 $0x3200;
	s1 =	simm.s32 $0x5200  }
0x106: {  	_ =	sfence.sel $0x180000  }
0x107: {  	[bflag:$0x0] =	sbarrier.arrive $0xFFFF  }
0x108: {  	_ =	strace $0x90000047  }
0x109: {  	s0 =	stileid.u32;
	[bflag:$0x2] =	sbarrier.arrive $0xFFFF  }
0x10a: {  	p0 =	sne.s32 s0, $0x0;
	s0 =	rddreg [dreg:$0x3]  }
0x10b: {  	s0 =	sadd.s32 @!p0 $0x100000, s0  }
0x10c: {  	[sflag:s0] =	ssyncadd.tile.s32 @!p0 $0x1;
	_ =	shalt  }
.Lfunc_end2:
_tile_overlayer_lowered:
.L_overlay_start_2:
0x10d: {  	(tag) =	ssettag $0x2  }
0x10e: {  	s0 =	rddreg [dreg:$0x0];
	s2 =	stileid.u32  }
0x10f: {  	s1 =	rddreg [dreg:$0x1];
	p0 =	sne.s32 s2, $0x0  }
0x110: {  	s3 =	rddreg [dreg:$0x2];
	[bflag:$0x3] =	sbarrier.arrive $0xFFFF;
	s2 =	simm.s32 @!p0 $0x1C05  }
0x111: {  	[timem:s3], [sflag:s2] =	dma.local @!p0 [hbm:s0], s1  }
0x112: {  	s0 =	simm.s32 @!p0 $0x5  }
0x113: {  	_ =	swait.ge @!p0 [sflag:s0], s1  }
0x114: {  	s1 =	ssub.s32 @!p0 $0x0, s1;
	[sflag:s0] =	ssyncset.done @!p0 $0x0  }
0x115: {  	[sflag:s0] =	ssyncadd.s32 @!p0 s1  }
0x116: {  	[bflag:$0x3] =	sbarrier.arrive $0xFFFF  }
0x117: {  	_ =	shalt  }

</sc_bundles>
